<compile_context>
chip_gen: v7x
topology: tpu7x:2x2x1
jax: 0.10.2.dev20260603
libtpu: 0.0.44.dev20260713+nightly
codegen_flags: <defaults>
</compile_context>

<pallas_src>
import functools

import jax
import jax.numpy as jnp
from jax import lax
from jax.experimental import pallas as pl
from jax.experimental.pallas import tpu as pltpu
from jax.experimental.pallas import tpu_sc as plsc

B = 512
S = 1024
D = 128
V = 22
VP = 24
NW = 32
CHUNK = B * S // NW
BBLK = 32

@functools.lru_cache(maxsize=1)
def _sc_mesh():
    return plsc.VectorSubcoreMesh(core_axis_name="c", subcore_axis_name="s")


def _sc_params():
    import dataclasses
    cp = pltpu.CompilerParams()
    if "needs_layout_passes" in pltpu.CompilerParams.__dataclass_fields__:
        cp = dataclasses.replace(cp, needs_layout_passes=False)
    return cp


def _to_tile_order(a2d):
    nb = a2d.shape[0]
    return a2d.reshape(nb // 8, 8, S // 128, 128).transpose(0, 2, 1, 3).reshape(-1)


def _from_tile_order(flat):
    nb = flat.shape[0] // S
    return flat.reshape(nb // 8, S // 128, 8, 128).transpose(0, 2, 1, 3).reshape(nb, S)


def _make_scale_body(chunk):
    def _scale_body(x_hbm, app_hbm, dip_hbm, out_hbm, x_v, app_v, dip_v, o_v,
                    sem):
        wid = lax.axis_index("s") * 2 + lax.axis_index("c")
        base = wid * chunk
        cp_x = pltpu.async_copy(x_hbm.at[pl.ds(base, chunk)], x_v, sem)
        cp_a = pltpu.async_copy(app_hbm, app_v, sem)
        cp_d = pltpu.async_copy(dip_hbm, dip_v, sem)
        cp_x.wait()
        cp_a.wait()
        cp_d.wait()
        iota = lax.iota(jnp.int32, 16)

        @pl.loop(0, chunk, step=16)
        def _(i):
            xv = x_v[pl.ds(i, 16)]
            l_vec = iota + (i % 128)
            s_vec = l_vec + ((i % 8192) // 1024) * 128
            nxt = jnp.where(l_vec == 127, iota + (i + 897), iota + (i + 1))
            nxt = jnp.minimum(nxt, chunk - 1)
            xn = plsc.load_gather(x_v, [nxt])
            app_val = plsc.load_gather(app_v, [xv, s_vec])
            dip_val = plsc.load_gather(dip_v, [xv, xn])
            dip_val = jnp.where(s_vec == S - 1, 0.0, dip_val)
            o_v[pl.ds(i, 16)] = jnp.where(xv != 0, app_val + dip_val, 0.0)

        pltpu.sync_copy(o_v, out_hbm.at[pl.ds(base, chunk)])

    return _scale_body


def _scale_call(x_flat, app, dip_pad):
    n = x_flat.shape[0]
    chunk = n // NW
    return pl.kernel(
        _make_scale_body(chunk),
        out_type=jax.ShapeDtypeStruct((n,), jnp.float32),
        mesh=_sc_mesh(),
        compiler_params=_sc_params(),
        scratch_types=[
            pltpu.VMEM((chunk,), jnp.int32),
            pltpu.VMEM((V, S), jnp.float32),
            pltpu.VMEM((V, V + 2), jnp.float32),
            pltpu.VMEM((chunk,), jnp.float32),
            pltpu.SemaphoreType.DMA,
        ],
    )(x_flat, app, dip_pad)


def _exon_body(x1_hbm, ex0_hbm, ex1_hbm, ex2_hbm, eo_hbm, x1_v, ex_v, eo_v):
    wid = lax.axis_index("s") * 2 + lax.axis_index("c")
    base = wid * CHUNK
    pltpu.sync_copy(x1_hbm.at[pl.ds(base, CHUNK)], x1_v)
    for c, ex_hbm in enumerate((ex0_hbm, ex1_hbm, ex2_hbm)):
        pltpu.sync_copy(ex_hbm.at[pl.ds(base, CHUNK)],
                        ex_v.at[pl.ds(c * CHUNK, CHUNK)])
    iota = lax.iota(jnp.int32, 16)

    @pl.loop(0, CHUNK, step=128)
    def _(i):
        o_base = ((i // 8192) * 32768 + ((i % 1024) // 128) * 4096
                  + ((i % 8192) // 1024) * 512)
        for k in range(8):
            x1v = x1_v[pl.ds(i + 16 * k, 16)]
            ind = jnp.where((x1v >= 1) & (x1v <= 21), 1.0, 0.0)
            eo_v[pl.ds(o_base + 16 * k, 16)] = ind
            for c in range(3):
                eo_v[pl.ds(o_base + (1 + c) * 128 + 16 * k, 16)] = (
                    ex_v[pl.ds(c * CHUNK + i + 16 * k, 16)])

    pltpu.sync_copy(eo_v, eo_hbm.at[pl.ds(base * 4, CHUNK * 4)])


@jax.jit
def _exon_call(x1_flat, ex0, ex1, ex2):
    return pl.kernel(
        _exon_body,
        out_type=jax.ShapeDtypeStruct((B * S * 4,), jnp.float32),
        mesh=_sc_mesh(),
        compiler_params=_sc_params(),
        scratch_types=[
            pltpu.VMEM((CHUNK,), jnp.int32),
            pltpu.VMEM((CHUNK * 3,), jnp.float32),
            pltpu.VMEM((CHUNK * 4,), jnp.float32),
        ],
    )(x1_flat, ex0, ex1, ex2)


def _embed_body(x_ref, sc_ref, pe_ref, rhs_ref, out_ref):
    pe = pe_ref[...]
    xT = jnp.transpose(x_ref[...])
    scT = jnp.transpose(sc_ref[...])
    sch = scT.astype(jnp.bfloat16)
    scl = (scT - sch.astype(jnp.float32)).astype(jnp.bfloat16)
    sc2 = jnp.concatenate([sch, scl], axis=1)
    vio = lax.broadcasted_iota(jnp.int32, (S, VP), 1).astype(jnp.bfloat16)
    one_b = jnp.bfloat16(1.0)
    zero_b = jnp.bfloat16(0.0)
    xTb = xT.astype(jnp.bfloat16)
    dn = (((1,), (0,)), ((), ()))
    for i in range(BBLK):
        col = lax.slice(xTb, (0, i), (S, i + 1))
        oh = jnp.where(col == vio, one_b, zero_b)
        lhs = jnp.concatenate([oh, sc2], axis=1)
        res = lax.dot_general(lhs, rhs_ref[i], dn,
                              preferred_element_type=jnp.float32)
        mm = lax.slice(res, (0, 0), (S, D))
        scb = lax.slice(res, (0, D), (S, 2 * D))
        out_ref[i] = mm + scb * pe


def _embed_half_call(x_h, scale2d_h, pe_s, rhs, half, prev=None):
    K = VP + 2 * BBLK
    nblk = (B // 2) // BBLK
    off = half * nblk

    def body(x_ref, sc_ref, pe_ref, rhs_ref, *rest):
        out_ref = rest[-1]
        _embed_body(x_ref, sc_ref, pe_ref, rhs_ref, out_ref)

    in_specs = [
        pl.BlockSpec((BBLK, S), lambda i: (i, 0)),
        pl.BlockSpec((BBLK, S), lambda i: (i, 0)),
        pl.BlockSpec((S, D), lambda i: (0, 0)),
        pl.BlockSpec((BBLK, K, 2 * D), lambda i: (0, 0, 0)),
    ]
    args = [x_h, scale2d_h, pe_s, rhs]
    aliases = {}
    if prev is not None:
        in_specs.append(pl.BlockSpec(memory_space=pl.ANY))
        args.append(prev)
        aliases = {4: 0}
    return pl.pallas_call(
        body,
        grid=(nblk,),
        in_specs=in_specs,
        out_specs=pl.BlockSpec((BBLK, S, D), lambda i: (i + off, 0, 0)),
        out_shape=jax.ShapeDtypeStruct((B, S, D), jnp.float32),
        input_output_aliases=aliases,
        compiler_params=pltpu.CompilerParams(vmem_limit_bytes=100 * 2**20),
    )(*args)


def _build_rhs(th):
    K = VP + 2 * BBLK
    r = jnp.arange(K)[None, :, None]
    i = jnp.arange(BBLK)[:, None, None]
    sel = ((r == VP + i) | (r == VP + BBLK + i)).astype(jnp.bfloat16)
    right = jnp.broadcast_to(sel, (BBLK, K, D))
    left = jnp.broadcast_to(
        jnp.pad(th, ((0, 2 * BBLK), (0, 0)))[None], (BBLK, K, D))
    return jnp.concatenate([left, right], axis=2)


def kernel(x, x_1, EXON_POS, tok_embed_weight, pe, amino_pos_probs,
           dipeptide_lookup_table):
    dip_pad = jnp.pad(dipeptide_lookup_table, ((0, 0), (0, 2)))
    h = B // 2
    x0, x1h = x[:h], x[h:]
    scale0 = _scale_call(_to_tile_order(x0), amino_pos_probs, dip_pad)
    scale1 = _scale_call(_to_tile_order(x1h), amino_pos_probs, dip_pad)

    eo_flat = _exon_call(_to_tile_order(x_1),
                         *[_to_tile_order(EXON_POS[:, :, c]) for c in range(3)])

    tok_p = jnp.pad(tok_embed_weight, ((0, VP - V), (0, 0)))
    rhs = _build_rhs(tok_p.astype(jnp.bfloat16))
    emb0 = _embed_half_call(x0, _from_tile_order(scale0), pe[:S], rhs, 0)
    embedding = _embed_half_call(x1h, _from_tile_order(scale1), pe[:S], rhs, 1,
                                 prev=emb0)

    embedding_EXON = (eo_flat.reshape(B, S // 128, 4, 128)
                      .transpose(0, 1, 3, 2).reshape(B, S, 4))
    return embedding, embedding_EXON

# --- scband reference (transcript-rebuilt; emitter-appended) ---
"""Pipeline reference for scband-transformer-embedding-5007931867395 (READ-ONLY COPY).

The authoritative reference and input builder live on the scoring server;
editing this copy changes nothing except your own understanding.
"""

import math
import jax, jax.numpy as jnp
import numpy as np

VOCAB = 22
D_MODEL = 128
MAX_LEN = 1024
B = 512
S = 1024
EXON_D = 3

def _make_pe():
    position = np.arange(0, MAX_LEN, dtype=np.float32)[:, None]
    div_term = np.exp(np.arange(0, D_MODEL, 2, dtype=np.float32) * -(math.log(10000.0) / D_MODEL))
    pe = np.zeros((MAX_LEN, D_MODEL), dtype=np.float32)
    pe[:, 0::2] = np.sin(position * div_term)
    pe[:, 1::2] = np.cos(position * div_term)
    return jnp.asarray(pe)

def setup_inputs(seed: int = 0) -> dict:
    key = jax.random.key(seed)
    ks = jax.random.split(key, 6)
    x = jax.random.randint(ks[0], (B, S), 0, VOCAB, dtype=jnp.int32)
    x_1 = jax.random.randint(ks[1], (B, S), 0, VOCAB, dtype=jnp.int32)
    EXON_POS = jax.random.uniform(ks[2], (B, S, EXON_D), dtype=jnp.float32)
    tok_embed_weight = jax.random.normal(ks[3], (VOCAB, D_MODEL), dtype=jnp.float32) * 0.02
    tok_embed_weight = tok_embed_weight.at[0].set(0.0)  # padding_idx=0
    pe = _make_pe()
    amino_pos_probs = jax.random.uniform(ks[4], (VOCAB, MAX_LEN), dtype=jnp.float32)
    dipeptide_lookup_table = jax.random.uniform(ks[5], (VOCAB, VOCAB), dtype=jnp.float32)
    return {"x": x, "x_1": x_1, "EXON_POS": EXON_POS,
            "tok_embed_weight": tok_embed_weight, "pe": pe,
            "amino_pos_probs": amino_pos_probs,
            "dipeptide_lookup_table": dipeptide_lookup_table}

def reference(x, x_1, EXON_POS, tok_embed_weight, pe, amino_pos_probs, dipeptide_lookup_table):
    batch_size, seq_len = x_1.shape
    output_tensor = ((x_1 >= 1) & (x_1 <= 21)).astype(jnp.float32)[..., None]
    tok_embedding = jnp.take(tok_embed_weight, x, axis=0)
    batch_size, seq_len = x.shape
    mask = (x != 0)
    pe_s = pe[:seq_len]
    pe_masked = jnp.where(mask[..., None], pe_s[None, :, :], 0.0)
    # probs[:, i] = amino_pos_probs[x[:, i], i]  (vectorized gather)
    probs = amino_pos_probs[x, jnp.arange(seq_len, dtype=jnp.int32)[None, :]]
    idx1s = x[:, :-1]
    idx2s = x[:, 1:]
    dipeptide_probs = dipeptide_lookup_table[idx1s, idx2s][..., None]
    zero_padding = jnp.zeros((batch_size, 1, 1), dtype=jnp.float32)
    dipeptide_probs_padded = jnp.concatenate([dipeptide_probs, zero_padding], axis=1)
    probs_expanded = probs[..., None]
    pe_adjusted = pe_masked * (probs_expanded + dipeptide_probs_padded)
    embedding = tok_embedding + pe_adjusted  # dropout is identity in eval
    embedding_EXON = jnp.concatenate([output_tensor, EXON_POS], axis=-1)
    return (embedding, embedding_EXON)

if __name__ == "__main__":
    import jax
    _d = setup_inputs()
    print(jax.jit(kernel)(*tuple(_d.values())))

</pallas_src>

<mosaic_0001>
#map = affine_map<(d0, d1) -> (0)>
module attributes {stable_mosaic.version = 14 : i64} {
  func.func @_exon_body(%arg0: i32, %arg1: i32, %arg2: memref<524288xi32, #tpu.memory_space<hbm>>, %arg3: memref<524288xf32, #tpu.memory_space<hbm>>, %arg4: memref<524288xf32, #tpu.memory_space<hbm>>, %arg5: memref<524288xf32, #tpu.memory_space<hbm>>, %arg6: memref<2097152xf32, #tpu.memory_space<hbm>>, %arg7: memref<16384xi32, #tpu.memory_space<vmem>>, %arg8: memref<49152xf32, #tpu.memory_space<vmem>>, %arg9: memref<65536xf32, #tpu.memory_space<vmem>>) attributes {dimension_semantics = [#tpu.dimension_semantics<core_parallel>, #tpu.dimension_semantics<subcore_parallel>], iteration_bounds = array<i64: 2, 16>, scalar_prefetch = 0 : i64, scratch_operands = 3 : i64, tpu.core_type = #tpu.core_type<sc_vector_subcore>, window_params = [{transform_indices = #map}, {transform_indices = #map}, {transform_indices = #map}, {transform_indices = #map}, {transform_indices = #map}]} {
    %mul3A = arith.constant 2 : i32
    %mul3A_0 = arith.muli %arg1, %mul3A : i32
    %add3A = arith.addi %mul3A_0, %arg0 : i32
    %mul3A_1 = arith.constant 16384 : i32
    %mul3A_2 = arith.muli %add3A, %mul3A_1 : i32
    "tpu.region"() ({
      %run_scoped3A = tpu.sem_alloc : memref<!tpu.dma_semaphore, #tpu.memory_space<semaphore_mem>>
      %dma_start3A = tpu.memref_slice %arg2[%mul3A_2] : memref<524288xi32, #tpu.memory_space<hbm>> -> memref<16384xi32, #tpu.memory_space<hbm>>
      %dma_start3A_9 = tpu.memref_slice %arg2[%mul3A_2] : memref<524288xi32, #tpu.memory_space<hbm>> -> memref<16384xi32, #tpu.memory_space<hbm>>
      tpu.enqueue_dma source(%dma_start3A_9 : memref<16384xi32, #tpu.memory_space<hbm>>) target(%arg7 : memref<16384xi32, #tpu.memory_space<vmem>>) target_semaphore(%run_scoped3A : memref<!tpu.dma_semaphore, #tpu.memory_space<semaphore_mem>>)
      %dma_wait3A = tpu.memref_slice %arg2[%mul3A_2] : memref<524288xi32, #tpu.memory_space<hbm>> -> memref<16384xi32, #tpu.memory_space<hbm>>
      %dma_wait3A_10 = tpu.memref_slice %arg2[%mul3A_2] : memref<524288xi32, #tpu.memory_space<hbm>> -> memref<16384xi32, #tpu.memory_space<hbm>>
      tpu.wait_dma2 semaphore(%run_scoped3A : memref<!tpu.dma_semaphore, #tpu.memory_space<semaphore_mem>>) src(%dma_wait3A_10 : memref<16384xi32, #tpu.memory_space<hbm>>) dst(%arg7 : memref<16384xi32, #tpu.memory_space<vmem>>)
      tpu.yield
    }) : () -> ()
    "tpu.region"() ({
      %run_scoped3A = tpu.sem_alloc : memref<!tpu.dma_semaphore, #tpu.memory_space<semaphore_mem>>
      %dma_start3A = arith.constant 0 : i32
      %dma_start3A_9 = tpu.memref_slice %arg8[%dma_start3A] : memref<49152xf32, #tpu.memory_space<vmem>> -> memref<16384xf32, #tpu.memory_space<vmem>>
      %dma_start3A_10 = tpu.memref_slice %arg3[%mul3A_2] : memref<524288xf32, #tpu.memory_space<hbm>> -> memref<16384xf32, #tpu.memory_space<hbm>>
      %dma_start3A_11 = arith.constant 0 : i32
      %dma_start3A_12 = tpu.memref_slice %arg8[%dma_start3A_11] : memref<49152xf32, #tpu.memory_space<vmem>> -> memref<16384xf32, #tpu.memory_space<vmem>>
      %dma_start3A_13 = tpu.memref_slice %arg3[%mul3A_2] : memref<524288xf32, #tpu.memory_space<hbm>> -> memref<16384xf32, #tpu.memory_space<hbm>>
      tpu.enqueue_dma source(%dma_start3A_13 : memref<16384xf32, #tpu.memory_space<hbm>>) target(%dma_start3A_12 : memref<16384xf32, #tpu.memory_space<vmem>>) target_semaphore(%run_scoped3A : memref<!tpu.dma_semaphore, #tpu.memory_space<semaphore_mem>>)
      %dma_wait3A = arith.constant 0 : i32
      %dma_wait3A_14 = tpu.memref_slice %arg8[%dma_wait3A] : memref<49152xf32, #tpu.memory_space<vmem>> -> memref<16384xf32, #tpu.memory_space<vmem>>
      %dma_wait3A_15 = tpu.memref_slice %arg3[%mul3A_2] : memref<524288xf32, #tpu.memory_space<hbm>> -> memref<16384xf32, #tpu.memory_space<hbm>>
      %dma_wait3A_16 = arith.constant 0 : i32
      %dma_wait3A_17 = tpu.memref_slice %arg8[%dma_wait3A_16] : memref<49152xf32, #tpu.memory_space<vmem>> -> memref<16384xf32, #tpu.memory_space<vmem>>
      %dma_wait3A_18 = tpu.memref_slice %arg3[%mul3A_2] : memref<524288xf32, #tpu.memory_space<hbm>> -> memref<16384xf32, #tpu.memory_space<hbm>>
      tpu.wait_dma2 semaphore(%run_scoped3A : memref<!tpu.dma_semaphore, #tpu.memory_space<semaphore_mem>>) src(%dma_wait3A_18 : memref<16384xf32, #tpu.memory_space<hbm>>) dst(%dma_wait3A_17 : memref<16384xf32, #tpu.memory_space<vmem>>)
      tpu.yield
    }) : () -> ()
    "tpu.region"() ({
      %run_scoped3A = tpu.sem_alloc : memref<!tpu.dma_semaphore, #tpu.memory_space<semaphore_mem>>
      %dma_start3A = arith.constant 16384 : i32
      %dma_start3A_9 = tpu.memref_slice %arg8[%dma_start3A] : memref<49152xf32, #tpu.memory_space<vmem>> -> memref<16384xf32, #tpu.memory_space<vmem>>
      %dma_start3A_10 = tpu.memref_slice %arg4[%mul3A_2] : memref<524288xf32, #tpu.memory_space<hbm>> -> memref<16384xf32, #tpu.memory_space<hbm>>
      %dma_start3A_11 = arith.constant 16384 : i32
      %dma_start3A_12 = tpu.memref_slice %arg8[%dma_start3A_11] : memref<49152xf32, #tpu.memory_space<vmem>> -> memref<16384xf32, #tpu.memory_space<vmem>>
      %dma_start3A_13 = tpu.memref_slice %arg4[%mul3A_2] : memref<524288xf32, #tpu.memory_space<hbm>> -> memref<16384xf32, #tpu.memory_space<hbm>>
      tpu.enqueue_dma source(%dma_start3A_13 : memref<16384xf32, #tpu.memory_space<hbm>>) target(%dma_start3A_12 : memref<16384xf32, #tpu.memory_space<vmem>>) target_semaphore(%run_scoped3A : memref<!tpu.dma_semaphore, #tpu.memory_space<semaphore_mem>>)
      %dma_wait3A = arith.constant 16384 : i32
      %dma_wait3A_14 = tpu.memref_slice %arg8[%dma_wait3A] : memref<49152xf32, #tpu.memory_space<vmem>> -> memref<16384xf32, #tpu.memory_space<vmem>>
      %dma_wait3A_15 = tpu.memref_slice %arg4[%mul3A_2] : memref<524288xf32, #tpu.memory_space<hbm>> -> memref<16384xf32, #tpu.memory_space<hbm>>
      %dma_wait3A_16 = arith.constant 16384 : i32
      %dma_wait3A_17 = tpu.memref_slice %arg8[%dma_wait3A_16] : memref<49152xf32, #tpu.memory_space<vmem>> -> memref<16384xf32, #tpu.memory_space<vmem>>
      %dma_wait3A_18 = tpu.memref_slice %arg4[%mul3A_2] : memref<524288xf32, #tpu.memory_space<hbm>> -> memref<16384xf32, #tpu.memory_space<hbm>>
      tpu.wait_dma2 semaphore(%run_scoped3A : memref<!tpu.dma_semaphore, #tpu.memory_space<semaphore_mem>>) src(%dma_wait3A_18 : memref<16384xf32, #tpu.memory_space<hbm>>) dst(%dma_wait3A_17 : memref<16384xf32, #tpu.memory_space<vmem>>)
      tpu.yield
    }) : () -> ()
    "tpu.region"() ({
      %run_scoped3A = tpu.sem_alloc : memref<!tpu.dma_semaphore, #tpu.memory_space<semaphore_mem>>
      %dma_start3A = arith.constant 32768 : i32
      %dma_start3A_9 = tpu.memref_slice %arg8[%dma_start3A] : memref<49152xf32, #tpu.memory_space<vmem>> -> memref<16384xf32, #tpu.memory_space<vmem>>
      %dma_start3A_10 = tpu.memref_slice %arg5[%mul3A_2] : memref<524288xf32, #tpu.memory_space<hbm>> -> memref<16384xf32, #tpu.memory_space<hbm>>
      %dma_start3A_11 = arith.constant 32768 : i32
      %dma_start3A_12 = tpu.memref_slice %arg8[%dma_start3A_11] : memref<49152xf32, #tpu.memory_space<vmem>> -> memref<16384xf32, #tpu.memory_space<vmem>>
      %dma_start3A_13 = tpu.memref_slice %arg5[%mul3A_2] : memref<524288xf32, #tpu.memory_space<hbm>> -> memref<16384xf32, #tpu.memory_space<hbm>>
      tpu.enqueue_dma source(%dma_start3A_13 : memref<16384xf32, #tpu.memory_space<hbm>>) target(%dma_start3A_12 : memref<16384xf32, #tpu.memory_space<vmem>>) target_semaphore(%run_scoped3A : memref<!tpu.dma_semaphore, #tpu.memory_space<semaphore_mem>>)
      %dma_wait3A = arith.constant 32768 : i32
      %dma_wait3A_14 = tpu.memref_slice %arg8[%dma_wait3A] : memref<49152xf32, #tpu.memory_space<vmem>> -> memref<16384xf32, #tpu.memory_space<vmem>>
      %dma_wait3A_15 = tpu.memref_slice %arg5[%mul3A_2] : memref<524288xf32, #tpu.memory_space<hbm>> -> memref<16384xf32, #tpu.memory_space<hbm>>
      %dma_wait3A_16 = arith.constant 32768 : i32
      %dma_wait3A_17 = tpu.memref_slice %arg8[%dma_wait3A_16] : memref<49152xf32, #tpu.memory_space<vmem>> -> memref<16384xf32, #tpu.memory_space<vmem>>
      %dma_wait3A_18 = tpu.memref_slice %arg5[%mul3A_2] : memref<524288xf32, #tpu.memory_space<hbm>> -> memref<16384xf32, #tpu.memory_space<hbm>>
      tpu.wait_dma2 semaphore(%run_scoped3A : memref<!tpu.dma_semaphore, #tpu.memory_space<semaphore_mem>>) src(%dma_wait3A_18 : memref<16384xf32, #tpu.memory_space<hbm>>) dst(%dma_wait3A_17 : memref<16384xf32, #tpu.memory_space<vmem>>)
      tpu.yield
    }) : () -> ()
    %iota3A = tpu.iota {dimensions = array<i32: 0>} : vector<16xi32>
    %scan3A = arith.constant 0 : i32
    %scan3A_3 = arith.constant 128 : i32
    %scan3A_4 = arith.addi %scan3A, %scan3A_3 : i32
    %scan3A_5 = arith.constant 1 : i32
    scf.for %scan3A_9 = %scan3A to %scan3A_4 step %scan3A_5  : i32 {
      %mul3A_10 = arith.constant 128 : i32
      %mul3A_11 = arith.muli %scan3A_9, %mul3A_10 : i32
      %add3A_12 = arith.constant 0 : i32
      %add3A_13 = arith.addi %add3A_12, %mul3A_11 : i32
      %jit3A = arith.constant 8192 : i32
      %div3A = arith.divsi %add3A_13, %jit3A : i32
      %sign3A = arith.constant 0 : i32
      %sign3A_14 = arith.cmpi sgt, %add3A_13, %sign3A : i32
      %sign3A_15 = arith.extui %sign3A_14 : i1 to i32
      %sign3A_16 = arith.constant 0 : i32
      %sign3A_17 = arith.cmpi slt, %add3A_13, %sign3A_16 : i32
      %sign3A_18 = arith.extui %sign3A_17 : i1 to i32
      %sign3A_19 = arith.subi %sign3A_15, %sign3A_18 : i32
      %sign3A_20 = arith.constant 0 : i32
      %sign3A_21 = arith.cmpi sgt, %jit3A, %sign3A_20 : i32
      %sign3A_22 = arith.extui %sign3A_21 : i1 to i32
      %sign3A_23 = arith.constant 0 : i32
      %sign3A_24 = arith.cmpi slt, %jit3A, %sign3A_23 : i32
      %sign3A_25 = arith.extui %sign3A_24 : i1 to i32
      %sign3A_26 = arith.subi %sign3A_22, %sign3A_25 : i32
      %ne3A = arith.cmpi ne, %sign3A_19, %sign3A_26 : i32
      %rem3A = arith.remsi %add3A_13, %jit3A : i32
      %ne3A_27 = arith.constant 0 : i32
      %ne3A_28 = arith.cmpi ne, %rem3A, %ne3A_27 : i32
      %and3A = arith.andi %ne3A, %ne3A_28 : i1
      %sub3A = arith.constant 1 : i32
      %sub3A_29 = arith.subi %div3A, %sub3A : i32
      %select_n3A = arith.select %and3A, %sub3A_29, %div3A : i32
      %mul3A_30 = arith.constant 32768 : i32
      %mul3A_31 = arith.muli %select_n3A, %mul3A_30 : i32
      %jit3A_32 = arith.constant 1024 : i32
      %eq3A = arith.constant 0 : i32
      %eq3A_33 = arith.cmpi eq, %jit3A_32, %eq3A : i32
      %jit3A_34 = arith.constant 1 : i32
      %select_n3A_35 = arith.select %eq3A_33, %jit3A_34, %jit3A_32 : i32
      %rem3A_36 = arith.remsi %add3A_13, %select_n3A_35 : i32
      %ne3A_37 = arith.constant 0 : i32
      %ne3A_38 = arith.cmpi ne, %rem3A_36, %ne3A_37 : i32
      %lt3A = arith.constant 0 : i32
      %lt3A_39 = arith.cmpi slt, %rem3A_36, %lt3A : i32
      %lt3A_40 = arith.constant 0 : i32
      %lt3A_41 = arith.cmpi slt, %select_n3A_35, %lt3A_40 : i32
      %ne3A_42 = arith.xori %lt3A_39, %lt3A_41 : i1
      %and3A_43 = arith.andi %ne3A_42, %ne3A_38 : i1
      %add3A_44 = arith.addi %rem3A_36, %select_n3A_35 : i32
      %select_n3A_45 = arith.select %and3A_43, %add3A_44, %rem3A_36 : i32
      %jit3A_46 = arith.constant 128 : i32
      %div3A_47 = arith.divsi %select_n3A_45, %jit3A_46 : i32
      %sign3A_48 = arith.constant 0 : i32
      %sign3A_49 = arith.cmpi sgt, %select_n3A_45, %sign3A_48 : i32
      %sign3A_50 = arith.extui %sign3A_49 : i1 to i32
      %sign3A_51 = arith.constant 0 : i32
      %sign3A_52 = arith.cmpi slt, %select_n3A_45, %sign3A_51 : i32
      %sign3A_53 = arith.extui %sign3A_52 : i1 to i32
      %sign3A_54 = arith.subi %sign3A_50, %sign3A_53 : i32
      %sign3A_55 = arith.constant 0 : i32
      %sign3A_56 = arith.cmpi sgt, %jit3A_46, %sign3A_55 : i32
      %sign3A_57 = arith.extui %sign3A_56 : i1 to i32
      %sign3A_58 = arith.constant 0 : i32
      %sign3A_59 = arith.cmpi slt, %jit3A_46, %sign3A_58 : i32
      %sign3A_60 = arith.extui %sign3A_59 : i1 to i32
      %sign3A_61 = arith.subi %sign3A_57, %sign3A_60 : i32
      %ne3A_62 = arith.cmpi ne, %sign3A_54, %sign3A_61 : i32
      %rem3A_63 = arith.remsi %select_n3A_45, %jit3A_46 : i32
      %ne3A_64 = arith.constant 0 : i32
      %ne3A_65 = arith.cmpi ne, %rem3A_63, %ne3A_64 : i32
      %and3A_66 = arith.andi %ne3A_62, %ne3A_65 : i1
      %sub3A_67 = arith.constant 1 : i32
      %sub3A_68 = arith.subi %div3A_47, %sub3A_67 : i32
      %select_n3A_69 = arith.select %and3A_66, %sub3A_68, %div3A_47 : i32
      %mul3A_70 = arith.constant 4096 : i32
      %mul3A_71 = arith.muli %select_n3A_69, %mul3A_70 : i32
      %add3A_72 = arith.addi %mul3A_31, %mul3A_71 : i32
      %jit3A_73 = arith.constant 8192 : i32
      %eq3A_74 = arith.constant 0 : i32
      %eq3A_75 = arith.cmpi eq, %jit3A_73, %eq3A_74 : i32
      %jit3A_76 = arith.constant 1 : i32
      %select_n3A_77 = arith.select %eq3A_75, %jit3A_76, %jit3A_73 : i32
      %rem3A_78 = arith.remsi %add3A_13, %select_n3A_77 : i32
      %ne3A_79 = arith.constant 0 : i32
      %ne3A_80 = arith.cmpi ne, %rem3A_78, %ne3A_79 : i32
      %lt3A_81 = arith.constant 0 : i32
      %lt3A_82 = arith.cmpi slt, %rem3A_78, %lt3A_81 : i32
      %lt3A_83 = arith.constant 0 : i32
      %lt3A_84 = arith.cmpi slt, %select_n3A_77, %lt3A_83 : i32
      %ne3A_85 = arith.xori %lt3A_82, %lt3A_84 : i1
      %and3A_86 = arith.andi %ne3A_85, %ne3A_80 : i1
      %add3A_87 = arith.addi %rem3A_78, %select_n3A_77 : i32
      %select_n3A_88 = arith.select %and3A_86, %add3A_87, %rem3A_78 : i32
      %jit3A_89 = arith.constant 1024 : i32
      %div3A_90 = arith.divsi %select_n3A_88, %jit3A_89 : i32
      %sign3A_91 = arith.constant 0 : i32
      %sign3A_92 = arith.cmpi sgt, %select_n3A_88, %sign3A_91 : i32
      %sign3A_93 = arith.extui %sign3A_92 : i1 to i32
      %sign3A_94 = arith.constant 0 : i32
      %sign3A_95 = arith.cmpi slt, %select_n3A_88, %sign3A_94 : i32
      %sign3A_96 = arith.extui %sign3A_95 : i1 to i32
      %sign3A_97 = arith.subi %sign3A_93, %sign3A_96 : i32
      %sign3A_98 = arith.constant 0 : i32
      %sign3A_99 = arith.cmpi sgt, %jit3A_89, %sign3A_98 : i32
      %sign3A_100 = arith.extui %sign3A_99 : i1 to i32
      %sign3A_101 = arith.constant 0 : i32
      %sign3A_102 = arith.cmpi slt, %jit3A_89, %sign3A_101 : i32
      %sign3A_103 = arith.extui %sign3A_102 : i1 to i32
      %sign3A_104 = arith.subi %sign3A_100, %sign3A_103 : i32
      %ne3A_105 = arith.cmpi ne, %sign3A_97, %sign3A_104 : i32
      %rem3A_106 = arith.remsi %select_n3A_88, %jit3A_89 : i32
      %ne3A_107 = arith.constant 0 : i32
      %ne3A_108 = arith.cmpi ne, %rem3A_106, %ne3A_107 : i32
      %and3A_109 = arith.andi %ne3A_105, %ne3A_108 : i1
      %sub3A_110 = arith.constant 1 : i32
      %sub3A_111 = arith.subi %div3A_90, %sub3A_110 : i32
      %select_n3A_112 = arith.select %and3A_109, %sub3A_111, %div3A_90 : i32
      %mul3A_113 = arith.constant 512 : i32
      %mul3A_114 = arith.muli %select_n3A_112, %mul3A_113 : i32
      %add3A_115 = arith.addi %add3A_72, %mul3A_114 : i32
      %add3A_116 = arith.constant 0 : i32
      %add3A_117 = arith.addi %add3A_13, %add3A_116 : i32
      %get3A = arith.index_cast %add3A_117 : i32 to index
      %get3A_118 = tpu.vector_load %arg7[%get3A] {strides = array<i32>} : memref<16384xi32, #tpu.memory_space<vmem>>, vector<16xi32>,
      %ge3A = arith.constant 1 : i32
      %ge3A_119 = vector.broadcast %ge3A : i32 to vector<16xi32>
      %ge3A_120 = arith.cmpi sge, %get3A_118, %ge3A_119 : vector<16xi32>
      %le3A = arith.constant 21 : i32
      %le3A_121 = vector.broadcast %le3A : i32 to vector<16xi32>
      %le3A_122 = arith.cmpi sle, %get3A_118, %le3A_121 : vector<16xi32>
      %and3A_123 = arith.andi %ge3A_120, %le3A_122 : vector<16xi1>
      %jit3A_124 = arith.constant 1.000000e+00 : f32
      %jit3A_125 = arith.constant 0.000000e+00 : f32
      %broadcast_in_dim3A = vector.broadcast %jit3A_124 : f32 to vector<16xf32>
      %broadcast_in_dim3A_126 = vector.broadcast %jit3A_125 : f32 to vector<16xf32>
      %select_n3A_127 = arith.select %and3A_123, %broadcast_in_dim3A, %broadcast_in_dim3A_126 : vector<16xi1>, vector<16xf32>
      %add3A_128 = arith.constant 0 : i32
      %add3A_129 = arith.addi %add3A_115, %add3A_128 : i32
      %swap3A = arith.index_cast %add3A_129 : i32 to index
      %swap3A_130 = tpu.vector_load %arg9[%swap3A] {strides = array<i32>} : memref<65536xf32, #tpu.memory_space<vmem>>, vector<16xf32>,
      tpu.vector_store %arg9[%swap3A], %select_n3A_127 {strides = array<i32>} : memref<65536xf32, #tpu.memory_space<vmem>>, vector<16xf32>,
      %add3A_131 = arith.constant 0 : i32
      %add3A_132 = arith.addi %add3A_131, %add3A_13 : i32
      %add3A_133 = arith.constant 0 : i32
      %add3A_134 = arith.addi %add3A_132, %add3A_133 : i32
      %get3A_135 = arith.index_cast %add3A_134 : i32 to index
      %get3A_136 = tpu.vector_load %arg8[%get3A_135] {strides = array<i32>} : memref<49152xf32, #tpu.memory_space<vmem>>, vector<16xf32>,
      %add3A_137 = arith.constant 128 : i32
      %add3A_138 = arith.addi %add3A_115, %add3A_137 : i32
      %add3A_139 = arith.constant 0 : i32
      %add3A_140 = arith.addi %add3A_138, %add3A_139 : i32
      %swap3A_141 = arith.index_cast %add3A_140 : i32 to index
      %swap3A_142 = tpu.vector_load %arg9[%swap3A_141] {strides = array<i32>} : memref<65536xf32, #tpu.memory_space<vmem>>, vector<16xf32>,
      tpu.vector_store %arg9[%swap3A_141], %get3A_136 {strides = array<i32>} : memref<65536xf32, #tpu.memory_space<vmem>>, vector<16xf32>,
      %add3A_143 = arith.constant 16384 : i32
      %add3A_144 = arith.addi %add3A_143, %add3A_13 : i32
      %add3A_145 = arith.constant 0 : i32
      %add3A_146 = arith.addi %add3A_144, %add3A_145 : i32
      %get3A_147 = arith.index_cast %add3A_146 : i32 to index
      %get3A_148 = tpu.vector_load %arg8[%get3A_147] {strides = array<i32>} : memref<49152xf32, #tpu.memory_space<vmem>>, vector<16xf32>,
      %add3A_149 = arith.constant 256 : i32
      %add3A_150 = arith.addi %add3A_115, %add3A_149 : i32
      %add3A_151 = arith.constant 0 : i32
      %add3A_152 = arith.addi %add3A_150, %add3A_151 : i32
      %swap3A_153 = arith.index_cast %add3A_152 : i32 to index
      %swap3A_154 = tpu.vector_load %arg9[%swap3A_153] {strides = array<i32>} : memref<65536xf32, #tpu.memory_space<vmem>>, vector<16xf32>,
      tpu.vector_store %arg9[%swap3A_153], %get3A_148 {strides = array<i32>} : memref<65536xf32, #tpu.memory_space<vmem>>, vector<16xf32>,
      %add3A_155 = arith.constant 32768 : i32
      %add3A_156 = arith.addi %add3A_155, %add3A_13 : i32
      %add3A_157 = arith.constant 0 : i32
      %add3A_158 = arith.addi %add3A_156, %add3A_157 : i32
      %get3A_159 = arith.index_cast %add3A_158 : i32 to index
      %get3A_160 = tpu.vector_load %arg8[%get3A_159] {strides = array<i32>} : memref<49152xf32, #tpu.memory_space<vmem>>, vector<16xf32>,
      %add3A_161 = arith.constant 384 : i32
      %add3A_162 = arith.addi %add3A_115, %add3A_161 : i32
      %add3A_163 = arith.constant 0 : i32
      %add3A_164 = arith.addi %add3A_162, %add3A_163 : i32
      %swap3A_165 = arith.index_cast %add3A_164 : i32 to index
      %swap3A_166 = tpu.vector_load %arg9[%swap3A_165] {strides = array<i32>} : memref<65536xf32, #tpu.memory_space<vmem>>, vector<16xf32>,
      tpu.vector_store %arg9[%swap3A_165], %get3A_160 {strides = array<i32>} : memref<65536xf32, #tpu.memory_space<vmem>>, vector<16xf32>,
      %add3A_167 = arith.constant 16 : i32
      %add3A_168 = arith.addi %add3A_13, %add3A_167 : i32
      %get3A_169 = arith.index_cast %add3A_168 : i32 to index
      %get3A_170 = tpu.vector_load %arg7[%get3A_169] {strides = array<i32>} : memref<16384xi32, #tpu.memory_space<vmem>>, vector<16xi32>,
      %ge3A_171 = arith.constant 1 : i32
      %ge3A_172 = vector.broadcast %ge3A_171 : i32 to vector<16xi32>
      %ge3A_173 = arith.cmpi sge, %get3A_170, %ge3A_172 : vector<16xi32>
      %le3A_174 = arith.constant 21 : i32
      %le3A_175 = vector.broadcast %le3A_174 : i32 to vector<16xi32>
      %le3A_176 = arith.cmpi sle, %get3A_170, %le3A_175 : vector<16xi32>
      %and3A_177 = arith.andi %ge3A_173, %le3A_176 : vector<16xi1>
      %jit3A_178 = arith.constant 1.000000e+00 : f32
      %jit3A_179 = arith.constant 0.000000e+00 : f32
      %broadcast_in_dim3A_180 = vector.broadcast %jit3A_178 : f32 to vector<16xf32>
      %broadcast_in_dim3A_181 = vector.broadcast %jit3A_179 : f32 to vector<16xf32>
      %select_n3A_182 = arith.select %and3A_177, %broadcast_in_dim3A_180, %broadcast_in_dim3A_181 : vector<16xi1>, vector<16xf32>
      %add3A_183 = arith.constant 16 : i32
      %add3A_184 = arith.addi %add3A_115, %add3A_183 : i32
      %swap3A_185 = arith.index_cast %add3A_184 : i32 to index
      %swap3A_186 = tpu.vector_load %arg9[%swap3A_185] {strides = array<i32>} : memref<65536xf32, #tpu.memory_space<vmem>>, vector<16xf32>,
      tpu.vector_store %arg9[%swap3A_185], %select_n3A_182 {strides = array<i32>} : memref<65536xf32, #tpu.memory_space<vmem>>, vector<16xf32>,
      %add3A_187 = arith.constant 0 : i32
      %add3A_188 = arith.addi %add3A_187, %add3A_13 : i32
      %add3A_189 = arith.constant 16 : i32
      %add3A_190 = arith.addi %add3A_188, %add3A_189 : i32
      %get3A_191 = arith.index_cast %add3A_190 : i32 to index
      %get3A_192 = tpu.vector_load %arg8[%get3A_191] {strides = array<i32>} : memref<49152xf32, #tpu.memory_space<vmem>>, vector<16xf32>,
      %add3A_193 = arith.constant 128 : i32
      %add3A_194 = arith.addi %add3A_115, %add3A_193 : i32
      %add3A_195 = arith.constant 16 : i32
      %add3A_196 = arith.addi %add3A_194, %add3A_195 : i32
      %swap3A_197 = arith.index_cast %add3A_196 : i32 to index
      %swap3A_198 = tpu.vector_load %arg9[%swap3A_197] {strides = array<i32>} : memref<65536xf32, #tpu.memory_space<vmem>>, vector<16xf32>,
      tpu.vector_store %arg9[%swap3A_197], %get3A_192 {strides = array<i32>} : memref<65536xf32, #tpu.memory_space<vmem>>, vector<16xf32>,
      %add3A_199 = arith.constant 16384 : i32
      %add3A_200 = arith.addi %add3A_199, %add3A_13 : i32
      %add3A_201 = arith.constant 16 : i32
      %add3A_202 = arith.addi %add3A_200, %add3A_201 : i32
      %get3A_203 = arith.index_cast %add3A_202 : i32 to index
      %get3A_204 = tpu.vector_load %arg8[%get3A_203] {strides = array<i32>} : memref<49152xf32, #tpu.memory_space<vmem>>, vector<16xf32>,
      %add3A_205 = arith.constant 256 : i32
      %add3A_206 = arith.addi %add3A_115, %add3A_205 : i32
      %add3A_207 = arith.constant 16 : i32
      %add3A_208 = arith.addi %add3A_206, %add3A_207 : i32
      %swap3A_209 = arith.index_cast %add3A_208 : i32 to index
      %swap3A_210 = tpu.vector_load %arg9[%swap3A_209] {strides = array<i32>} : memref<65536xf32, #tpu.memory_space<vmem>>, vector<16xf32>,
      tpu.vector_store %arg9[%swap3A_209], %get3A_204 {strides = array<i32>} : memref<65536xf32, #tpu.memory_space<vmem>>, vector<16xf32>,
      %add3A_211 = arith.constant 32768 : i32
      %add3A_212 = arith.addi %add3A_211, %add3A_13 : i32
      %add3A_213 = arith.constant 16 : i32
      %add3A_214 = arith.addi %add3A_212, %add3A_213 : i32
      %get3A_215 = arith.index_cast %add3A_214 : i32 to index
      %get3A_216 = tpu.vector_load %arg8[%get3A_215] {strides = array<i32>} : memref<49152xf32, #tpu.memory_space<vmem>>, vector<16xf32>,
      %add3A_217 = arith.constant 384 : i32
      %add3A_218 = arith.addi %add3A_115, %add3A_217 : i32
      %add3A_219 = arith.constant 16 : i32
      %add3A_220 = arith.addi %add3A_218, %add3A_219 : i32
      %swap3A_221 = arith.index_cast %add3A_220 : i32 to index
      %swap3A_222 = tpu.vector_load %arg9[%swap3A_221] {strides = array<i32>} : memref<65536xf32, #tpu.memory_space<vmem>>, vector<16xf32>,
      tpu.vector_store %arg9[%swap3A_221], %get3A_216 {strides = array<i32>} : memref<65536xf32, #tpu.memory_space<vmem>>, vector<16xf32>,
      %add3A_223 = arith.constant 32 : i32
      %add3A_224 = arith.addi %add3A_13, %add3A_223 : i32
      %get3A_225 = arith.index_cast %add3A_224 : i32 to index
      %get3A_226 = tpu.vector_load %arg7[%get3A_225] {strides = array<i32>} : memref<16384xi32, #tpu.memory_space<vmem>>, vector<16xi32>,
      %ge3A_227 = arith.constant 1 : i32
      %ge3A_228 = vector.broadcast %ge3A_227 : i32 to vector<16xi32>
      %ge3A_229 = arith.cmpi sge, %get3A_226, %ge3A_228 : vector<16xi32>
      %le3A_230 = arith.constant 21 : i32
      %le3A_231 = vector.broadcast %le3A_230 : i32 to vector<16xi32>
      %le3A_232 = arith.cmpi sle, %get3A_226, %le3A_231 : vector<16xi32>
      %and3A_233 = arith.andi %ge3A_229, %le3A_232 : vector<16xi1>
      %jit3A_234 = arith.constant 1.000000e+00 : f32
      %jit3A_235 = arith.constant 0.000000e+00 : f32
      %broadcast_in_dim3A_236 = vector.broadcast %jit3A_234 : f32 to vector<16xf32>
      %broadcast_in_dim3A_237 = vector.broadcast %jit3A_235 : f32 to vector<16xf32>
      %select_n3A_238 = arith.select %and3A_233, %broadcast_in_dim3A_236, %broadcast_in_dim3A_237 : vector<16xi1>, vector<16xf32>
      %add3A_239 = arith.constant 32 : i32
      %add3A_240 = arith.addi %add3A_115, %add3A_239 : i32
      %swap3A_241 = arith.index_cast %add3A_240 : i32 to index
      %swap3A_242 = tpu.vector_load %arg9[%swap3A_241] {strides = array<i32>} : memref<65536xf32, #tpu.memory_space<vmem>>, vector<16xf32>,
      tpu.vector_store %arg9[%swap3A_241], %select_n3A_238 {strides = array<i32>} : memref<65536xf32, #tpu.memory_space<vmem>>, vector<16xf32>,
      %add3A_243 = arith.constant 0 : i32
      %add3A_244 = arith.addi %add3A_243, %add3A_13 : i32
      %add3A_245 = arith.constant 32 : i32
      %add3A_246 = arith.addi %add3A_244, %add3A_245 : i32
      %get3A_247 = arith.index_cast %add3A_246 : i32 to index
      %get3A_248 = tpu.vector_load %arg8[%get3A_247] {strides = array<i32>} : memref<49152xf32, #tpu.memory_space<vmem>>, vector<16xf32>,
      %add3A_249 = arith.constant 128 : i32
      %add3A_250 = arith.addi %add3A_115, %add3A_249 : i32
      %add3A_251 = arith.constant 32 : i32
      %add3A_252 = arith.addi %add3A_250, %add3A_251 : i32
      %swap3A_253 = arith.index_cast %add3A_252 : i32 to index
      %swap3A_254 = tpu.vector_load %arg9[%swap3A_253] {strides = array<i32>} : memref<65536xf32, #tpu.memory_space<vmem>>, vector<16xf32>,
      tpu.vector_store %arg9[%swap3A_253], %get3A_248 {strides = array<i32>} : memref<65536xf32, #tpu.memory_space<vmem>>, vector<16xf32>,
      %add3A_255 = arith.constant 16384 : i32
      %add3A_256 = arith.addi %add3A_255, %add3A_13 : i32
      %add3A_257 = arith.constant 32 : i32
      %add3A_258 = arith.addi %add3A_256, %add3A_257 : i32
      %get3A_259 = arith.index_cast %add3A_258 : i32 to index
      %get3A_260 = tpu.vector_load %arg8[%get3A_259] {strides = array<i32>} : memref<49152xf32, #tpu.memory_space<vmem>>, vector<16xf32>,
      %add3A_261 = arith.constant 256 : i32
      %add3A_262 = arith.addi %add3A_115, %add3A_261 : i32
      %add3A_263 = arith.constant 32 : i32
      %add3A_264 = arith.addi %add3A_262, %add3A_263 : i32
      %swap3A_265 = arith.index_cast %add3A_264 : i32 to index
      %swap3A_266 = tpu.vector_load %arg9[%swap3A_265] {strides = array<i32>} : memref<65536xf32, #tpu.memory_space<vmem>>, vector<16xf32>,
      tpu.vector_store %arg9[%swap3A_265], %get3A_260 {strides = array<i32>} : memref<65536xf32, #tpu.memory_space<vmem>>, vector<16xf32>,
      %add3A_267 = arith.constant 32768 : i32
      %add3A_268 = arith.addi %add3A_267, %add3A_13 : i32
      %add3A_269 = arith.constant 32 : i32
      %add3A_270 = arith.addi %add3A_268, %add3A_269 : i32
      %get3A_271 = arith.index_cast %add3A_270 : i32 to index
      %get3A_272 = tpu.vector_load %arg8[%get3A_271] {strides = array<i32>} : memref<49152xf32, #tpu.memory_space<vmem>>, vector<16xf32>,
      %add3A_273 = arith.constant 384 : i32
      %add3A_274 = arith.addi %add3A_115, %add3A_273 : i32
      %add3A_275 = arith.constant 32 : i32
      %add3A_276 = arith.addi %add3A_274, %add3A_275 : i32
      %swap3A_277 = arith.index_cast %add3A_276 : i32 to index
      %swap3A_278 = tpu.vector_load %arg9[%swap3A_277] {strides = array<i32>} : memref<65536xf32, #tpu.memory_space<vmem>>, vector<16xf32>,
      tpu.vector_store %arg9[%swap3A_277], %get3A_272 {strides = array<i32>} : memref<65536xf32, #tpu.memory_space<vmem>>, vector<16xf32>,
      %add3A_279 = arith.constant 48 : i32
      %add3A_280 = arith.addi %add3A_13, %add3A_279 : i32
      %get3A_281 = arith.index_cast %add3A_280 : i32 to index
      %get3A_282 = tpu.vector_load %arg7[%get3A_281] {strides = array<i32>} : memref<16384xi32, #tpu.memory_space<vmem>>, vector<16xi32>,
      %ge3A_283 = arith.constant 1 : i32
      %ge3A_284 = vector.broadcast %ge3A_283 : i32 to vector<16xi32>
      %ge3A_285 = arith.cmpi sge, %get3A_282, %ge3A_284 : vector<16xi32>
      %le3A_286 = arith.constant 21 : i32
      %le3A_287 = vector.broadcast %le3A_286 : i32 to vector<16xi32>
      %le3A_288 = arith.cmpi sle, %get3A_282, %le3A_287 : vector<16xi32>
      %and3A_289 = arith.andi %ge3A_285, %le3A_288 : vector<16xi1>
      %jit3A_290 = arith.constant 1.000000e+00 : f32
      %jit3A_291 = arith.constant 0.000000e+00 : f32
      %broadcast_in_dim3A_292 = vector.broadcast %jit3A_290 : f32 to vector<16xf32>
      %broadcast_in_dim3A_293 = vector.broadcast %jit3A_291 : f32 to vector<16xf32>
      %select_n3A_294 = arith.select %and3A_289, %broadcast_in_dim3A_292, %broadcast_in_dim3A_293 : vector<16xi1>, vector<16xf32>
      %add3A_295 = arith.constant 48 : i32
      %add3A_296 = arith.addi %add3A_115, %add3A_295 : i32
      %swap3A_297 = arith.index_cast %add3A_296 : i32 to index
      %swap3A_298 = tpu.vector_load %arg9[%swap3A_297] {strides = array<i32>} : memref<65536xf32, #tpu.memory_space<vmem>>, vector<16xf32>,
      tpu.vector_store %arg9[%swap3A_297], %select_n3A_294 {strides = array<i32>} : memref<65536xf32, #tpu.memory_space<vmem>>, vector<16xf32>,
      %add3A_299 = arith.constant 0 : i32
      %add3A_300 = arith.addi %add3A_299, %add3A_13 : i32
      %add3A_301 = arith.constant 48 : i32
      %add3A_302 = arith.addi %add3A_300, %add3A_301 : i32
      %get3A_303 = arith.index_cast %add3A_302 : i32 to index
      %get3A_304 = tpu.vector_load %arg8[%get3A_303] {strides = array<i32>} : memref<49152xf32, #tpu.memory_space<vmem>>, vector<16xf32>,
      %add3A_305 = arith.constant 128 : i32
      %add3A_306 = arith.addi %add3A_115, %add3A_305 : i32
      %add3A_307 = arith.constant 48 : i32
      %add3A_308 = arith.addi %add3A_306, %add3A_307 : i32
      %swap3A_309 = arith.index_cast %add3A_308 : i32 to index
      %swap3A_310 = tpu.vector_load %arg9[%swap3A_309] {strides = array<i32>} : memref<65536xf32, #tpu.memory_space<vmem>>, vector<16xf32>,
      tpu.vector_store %arg9[%swap3A_309], %get3A_304 {strides = array<i32>} : memref<65536xf32, #tpu.memory_space<vmem>>, vector<16xf32>,
      %add3A_311 = arith.constant 16384 : i32
      %add3A_312 = arith.addi %add3A_311, %add3A_13 : i32
      %add3A_313 = arith.constant 48 : i32
      %add3A_314 = arith.addi %add3A_312, %add3A_313 : i32
      %get3A_315 = arith.index_cast %add3A_314 : i32 to index
      %get3A_316 = tpu.vector_load %arg8[%get3A_315] {strides = array<i32>} : memref<49152xf32, #tpu.memory_space<vmem>>, vector<16xf32>,
      %add3A_317 = arith.constant 256 : i32
      %add3A_318 = arith.addi %add3A_115, %add3A_317 : i32
      %add3A_319 = arith.constant 48 : i32
      %add3A_320 = arith.addi %add3A_318, %add3A_319 : i32
      %swap3A_321 = arith.index_cast %add3A_320 : i32 to index
      %swap3A_322 = tpu.vector_load %arg9[%swap3A_321] {strides = array<i32>} : memref<65536xf32, #tpu.memory_space<vmem>>, vector<16xf32>,
      tpu.vector_store %arg9[%swap3A_321], %get3A_316 {strides = array<i32>} : memref<65536xf32, #tpu.memory_space<vmem>>, vector<16xf32>,
      %add3A_323 = arith.constant 32768 : i32
      %add3A_324 = arith.addi %add3A_323, %add3A_13 : i32
      %add3A_325 = arith.constant 48 : i32
      %add3A_326 = arith.addi %add3A_324, %add3A_325 : i32
      %get3A_327 = arith.index_cast %add3A_326 : i32 to index
      %get3A_328 = tpu.vector_load %arg8[%get3A_327] {strides = array<i32>} : memref<49152xf32, #tpu.memory_space<vmem>>, vector<16xf32>,
      %add3A_329 = arith.constant 384 : i32
      %add3A_330 = arith.addi %add3A_115, %add3A_329 : i32
      %add3A_331 = arith.constant 48 : i32
      %add3A_332 = arith.addi %add3A_330, %add3A_331 : i32
      %swap3A_333 = arith.index_cast %add3A_332 : i32 to index
      %swap3A_334 = tpu.vector_load %arg9[%swap3A_333] {strides = array<i32>} : memref<65536xf32, #tpu.memory_space<vmem>>, vector<16xf32>,
      tpu.vector_store %arg9[%swap3A_333], %get3A_328 {strides = array<i32>} : memref<65536xf32, #tpu.memory_space<vmem>>, vector<16xf32>,
      %add3A_335 = arith.constant 64 : i32
      %add3A_336 = arith.addi %add3A_13, %add3A_335 : i32
      %get3A_337 = arith.index_cast %add3A_336 : i32 to index
      %get3A_338 = tpu.vector_load %arg7[%get3A_337] {strides = array<i32>} : memref<16384xi32, #tpu.memory_space<vmem>>, vector<16xi32>,
      %ge3A_339 = arith.constant 1 : i32
      %ge3A_340 = vector.broadcast %ge3A_339 : i32 to vector<16xi32>
      %ge3A_341 = arith.cmpi sge, %get3A_338, %ge3A_340 : vector<16xi32>
      %le3A_342 = arith.constant 21 : i32
      %le3A_343 = vector.broadcast %le3A_342 : i32 to vector<16xi32>
      %le3A_344 = arith.cmpi sle, %get3A_338, %le3A_343 : vector<16xi32>
      %and3A_345 = arith.andi %ge3A_341, %le3A_344 : vector<16xi1>
      %jit3A_346 = arith.constant 1.000000e+00 : f32
      %jit3A_347 = arith.constant 0.000000e+00 : f32
      %broadcast_in_dim3A_348 = vector.broadcast %jit3A_346 : f32 to vector<16xf32>
      %broadcast_in_dim3A_349 = vector.broadcast %jit3A_347 : f32 to vector<16xf32>
      %select_n3A_350 = arith.select %and3A_345, %broadcast_in_dim3A_348, %broadcast_in_dim3A_349 : vector<16xi1>, vector<16xf32>
      %add3A_351 = arith.constant 64 : i32
      %add3A_352 = arith.addi %add3A_115, %add3A_351 : i32
      %swap3A_353 = arith.index_cast %add3A_352 : i32 to index
      %swap3A_354 = tpu.vector_load %arg9[%swap3A_353] {strides = array<i32>} : memref<65536xf32, #tpu.memory_space<vmem>>, vector<16xf32>,
      tpu.vector_store %arg9[%swap3A_353], %select_n3A_350 {strides = array<i32>} : memref<65536xf32, #tpu.memory_space<vmem>>, vector<16xf32>,
      %add3A_355 = arith.constant 0 : i32
      %add3A_356 = arith.addi %add3A_355, %add3A_13 : i32
      %add3A_357 = arith.constant 64 : i32
      %add3A_358 = arith.addi %add3A_356, %add3A_357 : i32
      %get3A_359 = arith.index_cast %add3A_358 : i32 to index
      %get3A_360 = tpu.vector_load %arg8[%get3A_359] {strides = array<i32>} : memref<49152xf32, #tpu.memory_space<vmem>>, vector<16xf32>,
      %add3A_361 = arith.constant 128 : i32
      %add3A_362 = arith.addi %add3A_115, %add3A_361 : i32
      %add3A_363 = arith.constant 64 : i32
      %add3A_364 = arith.addi %add3A_362, %add3A_363 : i32
      %swap3A_365 = arith.index_cast %add3A_364 : i32 to index
      %swap3A_366 = tpu.vector_load %arg9[%swap3A_365] {strides = array<i32>} : memref<65536xf32, #tpu.memory_space<vmem>>, vector<16xf32>,
      tpu.vector_store %arg9[%swap3A_365], %get3A_360 {strides = array<i32>} : memref<65536xf32, #tpu.memory_space<vmem>>, vector<16xf32>,
      %add3A_367 = arith.constant 16384 : i32
      %add3A_368 = arith.addi %add3A_367, %add3A_13 : i32
      %add3A_369 = arith.constant 64 : i32
      %add3A_370 = arith.addi %add3A_368, %add3A_369 : i32
      %get3A_371 = arith.index_cast %add3A_370 : i32 to index
      %get3A_372 = tpu.vector_load %arg8[%get3A_371] {strides = array<i32>} : memref<49152xf32, #tpu.memory_space<vmem>>, vector<16xf32>,
      %add3A_373 = arith.constant 256 : i32
      %add3A_374 = arith.addi %add3A_115, %add3A_373 : i32
      %add3A_375 = arith.constant 64 : i32
      %add3A_376 = arith.addi %add3A_374, %add3A_375 : i32
      %swap3A_377 = arith.index_cast %add3A_376 : i32 to index
      %swap3A_378 = tpu.vector_load %arg9[%swap3A_377] {strides = array<i32>} : memref<65536xf32, #tpu.memory_space<vmem>>, vector<16xf32>,
      tpu.vector_store %arg9[%swap3A_377], %get3A_372 {strides = array<i32>} : memref<65536xf32, #tpu.memory_space<vmem>>, vector<16xf32>,
      %add3A_379 = arith.constant 32768 : i32
      %add3A_380 = arith.addi %add3A_379, %add3A_13 : i32
      %add3A_381 = arith.constant 64 : i32
      %add3A_382 = arith.addi %add3A_380, %add3A_381 : i32
      %get3A_383 = arith.index_cast %add3A_382 : i32 to index
      %get3A_384 = tpu.vector_load %arg8[%get3A_383] {strides = array<i32>} : memref<49152xf32, #tpu.memory_space<vmem>>, vector<16xf32>,
      %add3A_385 = arith.constant 384 : i32
      %add3A_386 = arith.addi %add3A_115, %add3A_385 : i32
      %add3A_387 = arith.constant 64 : i32
      %add3A_388 = arith.addi %add3A_386, %add3A_387 : i32
      %swap3A_389 = arith.index_cast %add3A_388 : i32 to index
      %swap3A_390 = tpu.vector_load %arg9[%swap3A_389] {strides = array<i32>} : memref<65536xf32, #tpu.memory_space<vmem>>, vector<16xf32>,
      tpu.vector_store %arg9[%swap3A_389], %get3A_384 {strides = array<i32>} : memref<65536xf32, #tpu.memory_space<vmem>>, vector<16xf32>,
      %add3A_391 = arith.constant 80 : i32
      %add3A_392 = arith.addi %add3A_13, %add3A_391 : i32
      %get3A_393 = arith.index_cast %add3A_392 : i32 to index
      %get3A_394 = tpu.vector_load %arg7[%get3A_393] {strides = array<i32>} : memref<16384xi32, #tpu.memory_space<vmem>>, vector<16xi32>,
      %ge3A_395 = arith.constant 1 : i32
      %ge3A_396 = vector.broadcast %ge3A_395 : i32 to vector<16xi32>
      %ge3A_397 = arith.cmpi sge, %get3A_394, %ge3A_396 : vector<16xi32>
      %le3A_398 = arith.constant 21 : i32
      %le3A_399 = vector.broadcast %le3A_398 : i32 to vector<16xi32>
      %le3A_400 = arith.cmpi sle, %get3A_394, %le3A_399 : vector<16xi32>
      %and3A_401 = arith.andi %ge3A_397, %le3A_400 : vector<16xi1>
      %jit3A_402 = arith.constant 1.000000e+00 : f32
      %jit3A_403 = arith.constant 0.000000e+00 : f32
      %broadcast_in_dim3A_404 = vector.broadcast %jit3A_402 : f32 to vector<16xf32>
      %broadcast_in_dim3A_405 = vector.broadcast %jit3A_403 : f32 to vector<16xf32>
      %select_n3A_406 = arith.select %and3A_401, %broadcast_in_dim3A_404, %broadcast_in_dim3A_405 : vector<16xi1>, vector<16xf32>
      %add3A_407 = arith.constant 80 : i32
      %add3A_408 = arith.addi %add3A_115, %add3A_407 : i32
      %swap3A_409 = arith.index_cast %add3A_408 : i32 to index
      %swap3A_410 = tpu.vector_load %arg9[%swap3A_409] {strides = array<i32>} : memref<65536xf32, #tpu.memory_space<vmem>>, vector<16xf32>,
      tpu.vector_store %arg9[%swap3A_409], %select_n3A_406 {strides = array<i32>} : memref<65536xf32, #tpu.memory_space<vmem>>, vector<16xf32>,
      %add3A_411 = arith.constant 0 : i32
      %add3A_412 = arith.addi %add3A_411, %add3A_13 : i32
      %add3A_413 = arith.constant 80 : i32
      %add3A_414 = arith.addi %add3A_412, %add3A_413 : i32
      %get3A_415 = arith.index_cast %add3A_414 : i32 to index
      %get3A_416 = tpu.vector_load %arg8[%get3A_415] {strides = array<i32>} : memref<49152xf32, #tpu.memory_space<vmem>>, vector<16xf32>,
      %add3A_417 = arith.constant 128 : i32
      %add3A_418 = arith.addi %add3A_115, %add3A_417 : i32
      %add3A_419 = arith.constant 80 : i32
      %add3A_420 = arith.addi %add3A_418, %add3A_419 : i32
      %swap3A_421 = arith.index_cast %add3A_420 : i32 to index
      %swap3A_422 = tpu.vector_load %arg9[%swap3A_421] {strides = array<i32>} : memref<65536xf32, #tpu.memory_space<vmem>>, vector<16xf32>,
      tpu.vector_store %arg9[%swap3A_421], %get3A_416 {strides = array<i32>} : memref<65536xf32, #tpu.memory_space<vmem>>, vector<16xf32>,
      %add3A_423 = arith.constant 16384 : i32
      %add3A_424 = arith.addi %add3A_423, %add3A_13 : i32
      %add3A_425 = arith.constant 80 : i32
      %add3A_426 = arith.addi %add3A_424, %add3A_425 : i32
      %get3A_427 = arith.index_cast %add3A_426 : i32 to index
      %get3A_428 = tpu.vector_load %arg8[%get3A_427] {strides = array<i32>} : memref<49152xf32, #tpu.memory_space<vmem>>, vector<16xf32>,
      %add3A_429 = arith.constant 256 : i32
      %add3A_430 = arith.addi %add3A_115, %add3A_429 : i32
      %add3A_431 = arith.constant 80 : i32
      %add3A_432 = arith.addi %add3A_430, %add3A_431 : i32
      %swap3A_433 = arith.index_cast %add3A_432 : i32 to index
      %swap3A_434 = tpu.vector_load %arg9[%swap3A_433] {strides = array<i32>} : memref<65536xf32, #tpu.memory_space<vmem>>, vector<16xf32>,
      tpu.vector_store %arg9[%swap3A_433], %get3A_428 {strides = array<i32>} : memref<65536xf32, #tpu.memory_space<vmem>>, vector<16xf32>,
      %add3A_435 = arith.constant 32768 : i32
      %add3A_436 = arith.addi %add3A_435, %add3A_13 : i32
      %add3A_437 = arith.constant 80 : i32
      %add3A_438 = arith.addi %add3A_436, %add3A_437 : i32
      %get3A_439 = arith.index_cast %add3A_438 : i32 to index
      %get3A_440 = tpu.vector_load %arg8[%get3A_439] {strides = array<i32>} : memref<49152xf32, #tpu.memory_space<vmem>>, vector<16xf32>,
      %add3A_441 = arith.constant 384 : i32
      %add3A_442 = arith.addi %add3A_115, %add3A_441 : i32
      %add3A_443 = arith.constant 80 : i32
      %add3A_444 = arith.addi %add3A_442, %add3A_443 : i32
      %swap3A_445 = arith.index_cast %add3A_444 : i32 to index
      %swap3A_446 = tpu.vector_load %arg9[%swap3A_445] {strides = array<i32>} : memref<65536xf32, #tpu.memory_space<vmem>>, vector<16xf32>,
      tpu.vector_store %arg9[%swap3A_445], %get3A_440 {strides = array<i32>} : memref<65536xf32, #tpu.memory_space<vmem>>, vector<16xf32>,
      %add3A_447 = arith.constant 96 : i32
      %add3A_448 = arith.addi %add3A_13, %add3A_447 : i32
      %get3A_449 = arith.index_cast %add3A_448 : i32 to index
      %get3A_450 = tpu.vector_load %arg7[%get3A_449] {strides = array<i32>} : memref<16384xi32, #tpu.memory_space<vmem>>, vector<16xi32>,
      %ge3A_451 = arith.constant 1 : i32
      %ge3A_452 = vector.broadcast %ge3A_451 : i32 to vector<16xi32>
      %ge3A_453 = arith.cmpi sge, %get3A_450, %ge3A_452 : vector<16xi32>
      %le3A_454 = arith.constant 21 : i32
      %le3A_455 = vector.broadcast %le3A_454 : i32 to vector<16xi32>
      %le3A_456 = arith.cmpi sle, %get3A_450, %le3A_455 : vector<16xi32>
      %and3A_457 = arith.andi %ge3A_453, %le3A_456 : vector<16xi1>
      %jit3A_458 = arith.constant 1.000000e+00 : f32
      %jit3A_459 = arith.constant 0.000000e+00 : f32
      %broadcast_in_dim3A_460 = vector.broadcast %jit3A_458 : f32 to vector<16xf32>
      %broadcast_in_dim3A_461 = vector.broadcast %jit3A_459 : f32 to vector<16xf32>
      %select_n3A_462 = arith.select %and3A_457, %broadcast_in_dim3A_460, %broadcast_in_dim3A_461 : vector<16xi1>, vector<16xf32>
      %add3A_463 = arith.constant 96 : i32
      %add3A_464 = arith.addi %add3A_115, %add3A_463 : i32
      %swap3A_465 = arith.index_cast %add3A_464 : i32 to index
      %swap3A_466 = tpu.vector_load %arg9[%swap3A_465] {strides = array<i32>} : memref<65536xf32, #tpu.memory_space<vmem>>, vector<16xf32>,
      tpu.vector_store %arg9[%swap3A_465], %select_n3A_462 {strides = array<i32>} : memref<65536xf32, #tpu.memory_space<vmem>>, vector<16xf32>,
      %add3A_467 = arith.constant 0 : i32
      %add3A_468 = arith.addi %add3A_467, %add3A_13 : i32
      %add3A_469 = arith.constant 96 : i32
      %add3A_470 = arith.addi %add3A_468, %add3A_469 : i32
      %get3A_471 = arith.index_cast %add3A_470 : i32 to index
      %get3A_472 = tpu.vector_load %arg8[%get3A_471] {strides = array<i32>} : memref<49152xf32, #tpu.memory_space<vmem>>, vector<16xf32>,
      %add3A_473 = arith.constant 128 : i32
      %add3A_474 = arith.addi %add3A_115, %add3A_473 : i32
      %add3A_475 = arith.constant 96 : i32
      %add3A_476 = arith.addi %add3A_474, %add3A_475 : i32
      %swap3A_477 = arith.index_cast %add3A_476 : i32 to index
      %swap3A_478 = tpu.vector_load %arg9[%swap3A_477] {strides = array<i32>} : memref<65536xf32, #tpu.memory_space<vmem>>, vector<16xf32>,
      tpu.vector_store %arg9[%swap3A_477], %get3A_472 {strides = array<i32>} : memref<65536xf32, #tpu.memory_space<vmem>>, vector<16xf32>,
      %add3A_479 = arith.constant 16384 : i32
      %add3A_480 = arith.addi %add3A_479, %add3A_13 : i32
      %add3A_481 = arith.constant 96 : i32
      %add3A_482 = arith.addi %add3A_480, %add3A_481 : i32
      %get3A_483 = arith.index_cast %add3A_482 : i32 to index
      %get3A_484 = tpu.vector_load %arg8[%get3A_483] {strides = array<i32>} : memref<49152xf32, #tpu.memory_space<vmem>>, vector<16xf32>,
      %add3A_485 = arith.constant 256 : i32
      %add3A_486 = arith.addi %add3A_115, %add3A_485 : i32
      %add3A_487 = arith.constant 96 : i32
      %add3A_488 = arith.addi %add3A_486, %add3A_487 : i32
      %swap3A_489 = arith.index_cast %add3A_488 : i32 to index
      %swap3A_490 = tpu.vector_load %arg9[%swap3A_489] {strides = array<i32>} : memref<65536xf32, #tpu.memory_space<vmem>>, vector<16xf32>,
      tpu.vector_store %arg9[%swap3A_489], %get3A_484 {strides = array<i32>} : memref<65536xf32, #tpu.memory_space<vmem>>, vector<16xf32>,
      %add3A_491 = arith.constant 32768 : i32
      %add3A_492 = arith.addi %add3A_491, %add3A_13 : i32
      %add3A_493 = arith.constant 96 : i32
      %add3A_494 = arith.addi %add3A_492, %add3A_493 : i32
      %get3A_495 = arith.index_cast %add3A_494 : i32 to index
      %get3A_496 = tpu.vector_load %arg8[%get3A_495] {strides = array<i32>} : memref<49152xf32, #tpu.memory_space<vmem>>, vector<16xf32>,
      %add3A_497 = arith.constant 384 : i32
      %add3A_498 = arith.addi %add3A_115, %add3A_497 : i32
      %add3A_499 = arith.constant 96 : i32
      %add3A_500 = arith.addi %add3A_498, %add3A_499 : i32
      %swap3A_501 = arith.index_cast %add3A_500 : i32 to index
      %swap3A_502 = tpu.vector_load %arg9[%swap3A_501] {strides = array<i32>} : memref<65536xf32, #tpu.memory_space<vmem>>, vector<16xf32>,
      tpu.vector_store %arg9[%swap3A_501], %get3A_496 {strides = array<i32>} : memref<65536xf32, #tpu.memory_space<vmem>>, vector<16xf32>,
      %add3A_503 = arith.constant 112 : i32
      %add3A_504 = arith.addi %add3A_13, %add3A_503 : i32
      %get3A_505 = arith.index_cast %add3A_504 : i32 to index
      %get3A_506 = tpu.vector_load %arg7[%get3A_505] {strides = array<i32>} : memref<16384xi32, #tpu.memory_space<vmem>>, vector<16xi32>,
      %ge3A_507 = arith.constant 1 : i32
      %ge3A_508 = vector.broadcast %ge3A_507 : i32 to vector<16xi32>
      %ge3A_509 = arith.cmpi sge, %get3A_506, %ge3A_508 : vector<16xi32>
      %le3A_510 = arith.constant 21 : i32
      %le3A_511 = vector.broadcast %le3A_510 : i32 to vector<16xi32>
      %le3A_512 = arith.cmpi sle, %get3A_506, %le3A_511 : vector<16xi32>
      %and3A_513 = arith.andi %ge3A_509, %le3A_512 : vector<16xi1>
      %jit3A_514 = arith.constant 1.000000e+00 : f32
      %jit3A_515 = arith.constant 0.000000e+00 : f32
      %broadcast_in_dim3A_516 = vector.broadcast %jit3A_514 : f32 to vector<16xf32>
      %broadcast_in_dim3A_517 = vector.broadcast %jit3A_515 : f32 to vector<16xf32>
      %select_n3A_518 = arith.select %and3A_513, %broadcast_in_dim3A_516, %broadcast_in_dim3A_517 : vector<16xi1>, vector<16xf32>
      %add3A_519 = arith.constant 112 : i32
      %add3A_520 = arith.addi %add3A_115, %add3A_519 : i32
      %swap3A_521 = arith.index_cast %add3A_520 : i32 to index
      %swap3A_522 = tpu.vector_load %arg9[%swap3A_521] {strides = array<i32>} : memref<65536xf32, #tpu.memory_space<vmem>>, vector<16xf32>,
      tpu.vector_store %arg9[%swap3A_521], %select_n3A_518 {strides = array<i32>} : memref<65536xf32, #tpu.memory_space<vmem>>, vector<16xf32>,
      %add3A_523 = arith.constant 0 : i32
      %add3A_524 = arith.addi %add3A_523, %add3A_13 : i32
      %add3A_525 = arith.constant 112 : i32
      %add3A_526 = arith.addi %add3A_524, %add3A_525 : i32
      %get3A_527 = arith.index_cast %add3A_526 : i32 to index
      %get3A_528 = tpu.vector_load %arg8[%get3A_527] {strides = array<i32>} : memref<49152xf32, #tpu.memory_space<vmem>>, vector<16xf32>,
      %add3A_529 = arith.constant 128 : i32
      %add3A_530 = arith.addi %add3A_115, %add3A_529 : i32
      %add3A_531 = arith.constant 112 : i32
      %add3A_532 = arith.addi %add3A_530, %add3A_531 : i32
      %swap3A_533 = arith.index_cast %add3A_532 : i32 to index
      %swap3A_534 = tpu.vector_load %arg9[%swap3A_533] {strides = array<i32>} : memref<65536xf32, #tpu.memory_space<vmem>>, vector<16xf32>,
      tpu.vector_store %arg9[%swap3A_533], %get3A_528 {strides = array<i32>} : memref<65536xf32, #tpu.memory_space<vmem>>, vector<16xf32>,
      %add3A_535 = arith.constant 16384 : i32
      %add3A_536 = arith.addi %add3A_535, %add3A_13 : i32
      %add3A_537 = arith.constant 112 : i32
      %add3A_538 = arith.addi %add3A_536, %add3A_537 : i32
      %get3A_539 = arith.index_cast %add3A_538 : i32 to index
      %get3A_540 = tpu.vector_load %arg8[%get3A_539] {strides = array<i32>} : memref<49152xf32, #tpu.memory_space<vmem>>, vector<16xf32>,
      %add3A_541 = arith.constant 256 : i32
      %add3A_542 = arith.addi %add3A_115, %add3A_541 : i32
      %add3A_543 = arith.constant 112 : i32
      %add3A_544 = arith.addi %add3A_542, %add3A_543 : i32
      %swap3A_545 = arith.index_cast %add3A_544 : i32 to index
      %swap3A_546 = tpu.vector_load %arg9[%swap3A_545] {strides = array<i32>} : memref<65536xf32, #tpu.memory_space<vmem>>, vector<16xf32>,
      tpu.vector_store %arg9[%swap3A_545], %get3A_540 {strides = array<i32>} : memref<65536xf32, #tpu.memory_space<vmem>>, vector<16xf32>,
      %add3A_547 = arith.constant 32768 : i32
      %add3A_548 = arith.addi %add3A_547, %add3A_13 : i32
      %add3A_549 = arith.constant 112 : i32
      %add3A_550 = arith.addi %add3A_548, %add3A_549 : i32
      %get3A_551 = arith.index_cast %add3A_550 : i32 to index
      %get3A_552 = tpu.vector_load %arg8[%get3A_551] {strides = array<i32>} : memref<49152xf32, #tpu.memory_space<vmem>>, vector<16xf32>,
      %add3A_553 = arith.constant 384 : i32
      %add3A_554 = arith.addi %add3A_115, %add3A_553 : i32
      %add3A_555 = arith.constant 112 : i32
      %add3A_556 = arith.addi %add3A_554, %add3A_555 : i32
      %swap3A_557 = arith.index_cast %add3A_556 : i32 to index
      %swap3A_558 = tpu.vector_load %arg9[%swap3A_557] {strides = array<i32>} : memref<65536xf32, #tpu.memory_space<vmem>>, vector<16xf32>,
      tpu.vector_store %arg9[%swap3A_557], %get3A_552 {strides = array<i32>} : memref<65536xf32, #tpu.memory_space<vmem>>, vector<16xf32>,
    }
    %scan3A_6 = arith.constant 128 : i32
    %mul3A_7 = arith.constant 4 : i32
    %mul3A_8 = arith.muli %mul3A_2, %mul3A_7 : i32
    "tpu.region"() ({
      %run_scoped3A = tpu.sem_alloc : memref<!tpu.dma_semaphore, #tpu.memory_space<semaphore_mem>>
      %dma_start3A = tpu.memref_slice %arg6[%mul3A_8] : memref<2097152xf32, #tpu.memory_space<hbm>> -> memref<65536xf32, #tpu.memory_space<hbm>>
      %dma_start3A_9 = tpu.memref_slice %arg6[%mul3A_8] : memref<2097152xf32, #tpu.memory_space<hbm>> -> memref<65536xf32, #tpu.memory_space<hbm>>
      tpu.enqueue_dma source(%arg9 : memref<65536xf32, #tpu.memory_space<vmem>>) target(%dma_start3A_9 : memref<65536xf32, #tpu.memory_space<hbm>>) target_semaphore(%run_scoped3A : memref<!tpu.dma_semaphore, #tpu.memory_space<semaphore_mem>>)
      %dma_wait3A = tpu.memref_slice %arg6[%mul3A_8] : memref<2097152xf32, #tpu.memory_space<hbm>> -> memref<65536xf32, #tpu.memory_space<hbm>>
      %dma_wait3A_10 = tpu.memref_slice %arg6[%mul3A_8] : memref<2097152xf32, #tpu.memory_space<hbm>> -> memref<65536xf32, #tpu.memory_space<hbm>>
      tpu.wait_dma2 semaphore(%run_scoped3A : memref<!tpu.dma_semaphore, #tpu.memory_space<semaphore_mem>>) src(%arg9 : memref<65536xf32, #tpu.memory_space<vmem>>) dst(%dma_wait3A_10 : memref<65536xf32, #tpu.memory_space<hbm>>)
      tpu.yield
    }) : () -> ()
    return
  }
}

</mosaic_0001>

<sc_bundles>
// kernel: _exon_call.3.cloned.1.call-start
scs
__scs_entry_jumppad:
0x0: {  	(pc) =	sbr.rel $0x88, $3  }
0x1: {  	(tag) =	ssettag $0x0;
	lr =	simm.s32 $0x1  }
0x2: {  	[smem:$0x3F9D] =	sst lr;
	_ =	strace $0xD0000000  }
0x3: {  	_ = 	snop  }
0x4: {  	_ = 	snop  }
0x5: {  	_ = 	snop  }
0x6: {  	_ = 	snop  }
0x7: {  	_ = 	snop  }
__scs_overlays_trampoline_lowered:
0x8: {  	[smem:$0x3FAC] =	sst s0  }
0x9: {  	[smem:$0x3FAD] =	sst s1  }
0xa: {  	[smem:$0x3FAE] =	sst s2  }
0xb: {  	[smem:$0x3FAF] =	sst s3  }
0xc: {  	[smem:$0x3FB0] =	sst s4  }
0xd: {  	[smem:$0x3FB1] =	sst s5  }
0xe: {  	[smem:$0x3FB2] =	sst s6  }
0xf: {  	[smem:$0x3FB3] =	sst s7  }
0x10: {  	[smem:$0x3FB4] =	sst s8  }
0x11: {  	[smem:$0x3FB5] =	sst s9;
	s0 =	simm.s32 @!p0 $0x0  }
0x12: {  	s1 =	sld [smem:$0x3F9B];
	s0 =	simm.s32 @p0 $0x1  }
0x13: {  	[smem:$0x3FB6] =	sst s0;
	s0 =	simm.s32 @!p1 $0x0  }
0x14: {  	s2 =	sld [smem:$0x3F9A];
	s0 =	simm.s32 @p1 $0x1  }
0x15: {  	[smem:$0x3FB7] =	sst s0;
	s0 =	simm.s32 @!p2 $0x0  }
0x16: {  	s3 =	sld [smem:$0x3FDB];
	s0 =	simm.s32 @p2 $0x1  }
0x17: {  	s4 =	simm.s32 $0x1BF5;
	[smem:$0x3FB9] =	sst s0  }
0x18: {  	s0 =	sld [smem:$0x3F9C];
	_ =	swait.ge [sflag:s4], $0x0  }
0x19: {  	s7 =	sld [smem:$0x3F9D]  }
0x1a: {  	s8 =	sadd.s32 $0xFFFFE003, lr  }
0x1b: {  	s9 =	sadd.s32 $0xFFFFFEF7, lr;
	s5 =	simm.s32 $0xFFFFFFFF;
	p2 =	slt.u32 s8, $0xFFFFF086  }
0x1c: {  	p1 =	slt.u32 s9, $0xF7A;
	s5 =	simm.s32 @!p2 $0x0  }
0x1d: {  	s5 =	simm.s32 @p1 $0x1;
	p0 =	seq.s32 s7, s2  }
0x1e: {  	s7 =	smul.u32 @!p0 $0xF7A, s2;
	p2 =	seq.s32 @!p0 s5, $0x0  }
0x1f: {  	s9 =	smul.u32 $0xF7A, s1;
	s8 =	simm.s32 @!p0 $0x1BF5;
	p2 =	por !p2, p0  }
0x20: {  	[sflag:s8] =	ssyncset.s32 @!p0 $0xFFFFF086;
	s6 =	sadd.s32 @!p0 s3, s7;
	s7 =	simm.s32 @!p0 $0x108  }
0x21: {  	s3 =	sadd.s32 s3, s9;
	s6 =	sadd.s32 @!p0 $0x88, s6;
	s7 =	simm.s32 @p2 $0x1082  }
0x22: {  	[simem:s7], [sflag:s8] =	dma.local @!p0 [hbm:s6], $0xF7A  }
0x23: {  	s9 =	sor.u32 $0xD0000000, s2;
	s6 =	simm.s32 $0x108;
	_ =	swait.ge @!p0 [sflag:s8], $0x0  }
0x24: {  	s3 =	sadd.s32 $0x88, s3;
	s6 =	simm.s32 @!p1 $0x1082;
	[sflag:s4] =	ssyncset.s32 $0xFFFFF086  }
0x25: {  	[simem:s6], [sflag:s4] =	dma.local [hbm:s3], $0xF7A  }
0x26: {  	[smem:$0x3F9D] =	sst s1;
	(tag) =	ssettag s2;
	_ =	strace s9  }
0x27: {  	s1 =	sld [smem:$0x3FAD]  }
0x28: {  	s2 =	sld [smem:$0x3FAE]  }
0x29: {  	s4 =	sld [smem:$0x3FB0]  }
0x2a: {  	p0 =	seq.s32 s5, $0x0;
	s5 =	sld [smem:$0x3FB1]  }
0x2b: {  	s6 =	sld [smem:$0x3FB2]  }
0x2c: {  	s7 =	sld [smem:$0x3FB3]  }
0x2d: {  	s3 =	simm.s32 $0x108;
	s8 =	sld [smem:$0x3FB4]  }
0x2e: {  	s3 =	simm.s32 @!p0 $0x1082;
	s9 =	sld [smem:$0x3FB5]  }
0x2f: {  	lr =	sadd.s32 s0, s3;
	s0 =	sld [smem:$0x3FAC]  }
0x30: {  	s3 =	sld [smem:$0x3FAF]  }
0x31: {  	[smem:$0x3FB8] =	sst s10  }
0x32: {  	s10 =	sld [smem:$0x3FB6];
	_ =	sdelay $0x3  }
0x33: {  	p0 =	seq.s32 s10, $0x1;
	s10 =	sld [smem:$0x3FB8];
	_ =	sdelay $0x3  }
0x34: {  	[smem:$0x3FB8] =	sst s10  }
0x35: {  	s10 =	sld [smem:$0x3FB7];
	_ =	sdelay $0x3  }
0x36: {  	p1 =	seq.s32 s10, $0x1;
	s10 =	sld [smem:$0x3FB8];
	_ =	sdelay $0x3  }
0x37: {  	[smem:$0x3FB8] =	sst s10  }
0x38: {  	s10 =	sld [smem:$0x3FB9]  }
0x39: {  	_ = 	snop;
	(pc) =	sbr.ind lr, $3  }
0x3a: {  	_ = 	snop  }
0x3b: {  	_ = 	snop  }
0x3c: {  	p2 =	seq.s32 s10, $0x1;
	s10 =	sld [smem:$0x3FB8]  }
0x3d: {  	_ =	shalt  }
0x3e: {  	_ =	shalt  }
0x3f: {  	_ =	shalt  }
0x40: {  	_ =	shalt  }
0x41: {  	_ =	shalt  }
0x42: {  	_ =	shalt  }
0x43: {  	_ =	shalt  }
0x44: {  	_ =	shalt  }
0x45: {  	_ =	shalt  }
0x46: {  	_ =	shalt  }
0x47: {  	_ =	shalt  }
0x48: {  	_ =	shalt  }
0x49: {  	_ =	shalt  }
0x4a: {  	_ =	shalt  }
0x4b: {  	_ =	shalt  }
0x4c: {  	_ =	shalt  }
0x4d: {  	_ =	shalt  }
0x4e: {  	_ =	shalt  }
0x4f: {  	_ =	shalt  }
0x50: {  	_ =	shalt  }
0x51: {  	_ =	shalt  }
0x52: {  	_ =	shalt  }
0x53: {  	_ =	shalt  }
0x54: {  	_ =	shalt  }
0x55: {  	_ =	shalt  }
0x56: {  	_ =	shalt  }
0x57: {  	_ =	shalt  }
0x58: {  	_ =	shalt  }
0x59: {  	_ =	shalt  }
0x5a: {  	_ =	shalt  }
0x5b: {  	_ =	shalt  }
0x5c: {  	_ =	shalt  }
0x5d: {  	_ =	shalt  }
0x5e: {  	_ =	shalt  }
0x5f: {  	_ =	shalt  }
0x60: {  	_ =	shalt  }
0x61: {  	_ =	shalt  }
0x62: {  	_ =	shalt  }
0x63: {  	_ =	shalt  }
0x64: {  	_ =	shalt  }
0x65: {  	_ =	shalt  }
0x66: {  	_ =	shalt  }
0x67: {  	_ =	shalt  }
0x68: {  	_ =	shalt  }
0x69: {  	_ =	shalt  }
0x6a: {  	_ =	shalt  }
0x6b: {  	_ =	shalt  }
0x6c: {  	_ =	shalt  }
0x6d: {  	_ =	shalt  }
0x6e: {  	_ =	shalt  }
0x6f: {  	_ =	shalt  }
0x70: {  	_ =	shalt  }
0x71: {  	_ =	shalt  }
0x72: {  	_ =	shalt  }
0x73: {  	_ =	shalt  }
0x74: {  	_ =	shalt  }
0x75: {  	_ =	shalt  }
0x76: {  	_ =	shalt  }
0x77: {  	_ =	shalt  }
0x78: {  	_ =	shalt  }
0x79: {  	_ =	shalt  }
0x7a: {  	_ =	shalt  }
0x7b: {  	_ =	shalt  }
0x7c: {  	_ =	shalt  }
0x7d: {  	_ =	shalt  }
0x7e: {  	_ =	shalt  }
0x7f: {  	_ =	shalt  }
0x80: {  	_ =	shalt  }
0x81: {  	_ =	shalt  }
0x82: {  	_ =	shalt  }
0x83: {  	_ =	shalt  }
0x84: {  	_ =	shalt  }
0x85: {  	_ =	shalt  }
0x86: {  	_ =	shalt  }
0x87: {  	_ =	shalt  }
.Lfunc_end0:
.L_simem_size_0:
called_computation_lowered:
.L_overlay_start_0:
0x88: {  	s2 =	sld [smem:$0x3FD9]  }
0x89: {  	s3 =	sld [smem:$0x3FFE];
	_ =	sdelay $0x1  }
0x8a: {  	s1 =	srdreg.scid  }
0x8b: {  	s0 =	sand.u32 $0x1, s1  }
0x8c: {  	s18 =	sshll.u32 s0, $0xA;
	s2 =	sadd.s32 s3, s2  }
0x8d: {  	s2 =	sadd.s32 s2, s18  }
0x8e: {  	[smem:$0x3FC4] =	sst s2  }
0x8f: {  	_ = 	snop  }
0x90: {  	s2 =	sld [smem:$0x3FC9]  }
0x91: {  	s19 =	sld [smem:$0x3FC8]  }
0x92: {  	s4 =	sld [smem:$0x3FC7]  }
0x93: {  	s5 =	sld [smem:$0x3FC6]  }
0x94: {  	s6 =	sld [smem:$0x3FD0];
	(tm) =	ssettm $0x1  }
0x95: {  	s7 =	sld [smem:$0x3FFB];
	_ =	sdelay $0x3  }
0x96: {  	_ =	strace s7  }
0x97: {  	s7 =	sld [smem:$0x3FFC];
	_ =	sdelay $0x3  }
0x98: {  	_ =	strace s7  }
0x99: {  	s7 =	sld [smem:$0x3FFD];
	_ =	sdelay $0x3  }
0x9a: {  	_ =	strace s7  }
0x9b: {  	_ =	strace $0x8FFFFFFF  }
0x9c: {  	s20 =	sld [smem:$0x3FDB];
	_ =	sdelay $0x1  }
0x9d: {  	s8 =	simm.s32 $_scs_section_size  }
0x9e: {  	s9 =	simm.s32 $_size__tile_overlayer_lowered;
	s10 =	simm.s32 $_tile_overlayer_lowered  }
0x9f: {  	s23 =	simm.s32 $0x1BFF;
	s22 =	sshll.u32 s10, $0x1;
	s7 =	sadd.s32 s8, s20  }
0xa0: {  	s11 =	simm.s32 $0x0;
	s21 =	sshll.u32 s9, $0x1;
	s9 =	sadd.s32 s22, s7  }
0xa1: {  	[timem:s11], [sflag:s23] =	dma.local [hbm:s9], s21  }
0xa2: {  	_ =	swait.ge [sflag:s23], s21  }
0xa3: {  	s8 =	ssub.s32 $0x0, s21;
	[sflag:s23] =	ssyncset.done $0x0  }
0xa4: {  	[sflag:s23] =	ssyncadd.s32 s8;
	_ =	sdelay $0x1  }
0xa5: {  	s24 =	simm.s32 $0x1B8B  }
0xa6: {  	_ =	swait.ge [sflag:s24], $0x1  }
0xa7: {  	[sflag:s24] =	ssyncset.done $0x0  }
0xa8: {  	s25 =	simm.s32 $0x1B8E;
	[sflag:s24] =	ssyncadd.s32 $0xFFFFFFFF  }
0xa9: {  	s26 =	simm.s32 $execute0_lowered;
	[smem:$0x3FD2] =	sst s25  }
0xaa: {  	s8 =	sshll.u32 s26, $0x1;
	_ =	strace $0x80000046;
	[dreg:$0x1] =	wrdreg $0xFFFFFFFF  }
0xab: {  	s28 =	simm.s32 $_size_execute0_lowered;
	s7 =	sadd.s32 s7, s8;
	[dreg:$0x0] =	wrdreg $0x0  }
0xac: {  	s8 =	sshll.u32 s28, $0x1;
	[dreg:$0x2] =	wrdreg s7  }
0xad: {  	[dreg:$0x3] =	wrdreg s8  }
0xae: {  	[dreg:$0x4] =	wrdreg $0xC0  }
0xaf: {  	_ =	task [dreg:s11], $0x5FFFF  }
0xb0: {  	[dreg:$0x1] =	wrdreg $0xFFFFFFFF  }
0xb1: {  	[dreg:$0x0] =	wrdreg $0x60  }
0xb2: {  	[dreg:$0x2] =	wrdreg s2  }
0xb3: {  	[dreg:$0x3] =	wrdreg s19  }
0xb4: {  	[dreg:$0x4] =	wrdreg s4  }
0xb5: {  	[dreg:$0x5] =	wrdreg s5  }
0xb6: {  	[dreg:$0x6] =	wrdreg s6  }
0xb7: {  	[dreg:$0x7] =	wrdreg $0x9  }
0xb8: {  	_ =	task.clear_ibuf [dreg:s11], $0x8FFFF;
	_ =	strace $0x90000046  }
0xb9: {  	s29 =	simm.s32 $0x9;
	_ =	strace $0x80000048  }
0xba: {  	_ =	swait.ge [sflag:s29], $0x1  }
0xbb: {  	[sflag:s29] =	ssyncadd.s32 $0xFFFFFFFF  }
0xbc: {  	_ =	strace $0x90000048  }
0xbd: {  	_ =	sfence  }
0xbe: {  	s30 =	sld [smem:$0x0];
	_ =	sdelay $0x2  }
0xbf: {  	s31 =	sshll.u32 s1, $0xD;
	s1 =	sshrl.u32 s1, $0x2  }
0xc0: {  	s3 =	sand.u32 $0x4000, s31;
	s1 =	sadd.s32 s1, s30  }
0xc1: {  	s0 =	sor.u32 s3, s0;
	s1 =	sshll.u32 s1, $0x11  }
0xc2: {  	s0 =	sor.u32 s1, s0  }
0xc3: {  	s0 =	sadd.s32 $0x8F2B, s0  }
0xc4: {  	[sflag:s0] =	ssyncadd.remote.s32 $0x1  }
0xc5: {  	_ =	sfence.sel $0xFFFF  }
0xc6: {  	[dreg:$0x0] =	wrdreg $0xFFFFFFFF;
	(pc) =	sbr.abs _section_cstart, $3  }
0xc7: {  	[dreg:$0x1] =	wrdreg $0xFFFFFFFF  }
0xc8: {  	_ =	task.clear_ibuf [dreg:s11], $0x2FFFF;
	_ =	strace $0x9FFFFFFF  }
0xc9: {  	(tm) =	ssettm $0x7FFFFFFF  }
tec
execute0_lowered:
.L_overlay_start_1:
0x0: {  	(tag) =	ssettag $0x1  }
0x1: {  	s3 =	rddreg [dreg:$0x0]  }
0x2: {  	s4 =	rddreg [dreg:$0x1]  }
0x3: {  	s5 =	rddreg [dreg:$0x2]  }
0x4: {  	s6 =	rddreg [dreg:$0x3]  }
0x5: {  	s7 =	rddreg [dreg:$0x4]  }
0x6: {  	s2 =	srdreg.scid;
	s1 =	stileid.u32  }
0x7: {  	s0 =	rddreg [dreg:$0x5];
	s12 =	simm.s32 $0xC000;
	s13 =	simm.s32 $0x10000  }
0x8: {  	s14 =	simm.s32 $0x0;
	s8 =	sand.u32 $0x1, s2;
	s9 =	sshll.u32 s1, $0x1  }
0x9: {  	s2 =	simm.s32 $0x0;
	s10 =	ssub.s32 $0x2, s8;
	s8 =	sor.u32 s8, s9  }
0xa: {  	[smem:$0x7FF] =	sst s2;
	s31 =	sshrl.u32 s10, $0x1;
	s11 =	sshll.u32 s8, $0xB  }
0xb: {  	_ =	strace $0x80000047;
	s8 =	sshll.u32 s8, $0xD;
	s9 =	ssub.s32 s10, s31  }
0xc: {  	s3 =	sadd.s32 s3, s11;
	s4 =	sadd.s32 s4, s11;
	s5 =	sadd.s32 s5, s11  }
0xd: {  	s6 =	sadd.s32 s6, s11;
	s7 =	sadd.s32 s7, s8;
	s10 =	simm.s32 $0x4000  }
0xe: {  	v0 =	vimm.f32 $0.0e+00;
	s11 =	simm.s32 $0x8000;
	s8 =	smax.u32 s9, $0x1;
	s9 =	simm.s32 $0x1  }
.LBB2_1:
0xf: {  	[tilespmem:s2], [sflag:$0x1] =	stream.linear.gather [hbm4b:s3+s2], $0x4000, $0x38;
	v63 =	vld [tilespmem:$0x0]  }
0x10: {  	_ =	swait.ge [sflag:s9], $0x4000  }
0x11: {  	[sflag:s9] =	ssyncset.done $0x0  }
0x12: {  	[sflag:s9] =	ssyncadd.s32 $0xFFFFC000  }
0x13: {  	[tilespmem:s10], [sflag:$0x1] =	stream.linear.gather [hbm4b:s4+s2], $0x4000, $0x38;
	v63 =	vld [tilespmem:$0x0]  }
0x14: {  	_ =	swait.ge [sflag:s9], $0x4000  }
0x15: {  	[sflag:s9] =	ssyncset.done $0x0  }
0x16: {  	[sflag:s9] =	ssyncadd.s32 $0xFFFFC000  }
0x17: {  	[tilespmem:s11], [sflag:$0x1] =	stream.linear.gather [hbm4b:s5+s2], $0x4000, $0x38;
	v63 =	vld [tilespmem:$0x0]  }
0x18: {  	_ =	swait.ge [sflag:s9], $0x4000  }
0x19: {  	[sflag:s9] =	ssyncset.done $0x0  }
0x1a: {  	[sflag:s9] =	ssyncadd.s32 $0xFFFFC000  }
0x1b: {  	[tilespmem:s12], [sflag:$0x1] =	stream.linear.gather [hbm4b:s6+s2], $0x4000, $0x38;
	v63 =	vld [tilespmem:$0x0]  }
0x1c: {  	_ =	swait.ge [sflag:s9], $0x4000  }
0x1d: {  	[sflag:s9] =	ssyncset.done $0x0  }
0x1e: {  	s15 =	simm.s32 $0x0;
	[sflag:s9] =	ssyncadd.s32 $0xFFFFC000  }
0x1f: {  	v1 =	vld [tilespmem:s15+$0x0];
	_ =	sdelay $0x4  }
0x20: {  	s16 =	sand.u32 $0x8000, s2;
	s17 =	sand.u32 $0x7000, s2;
	v1 =	vadd.s32 $0xFFFFFFFF, v1  }
0x21: {  	s18 =	sand.u32 $0xE00, s2;
	s16 =	sor.u32 s17, s16;
	vm0 =	vlt.u32 v1, $0x15  }
0x22: {  	s16 =	sor.u32 s18, s16;
	v1 =	vsel vm0, $0x3F800000, v0  }
0x23: {  	[tilespmem:s16+$0x10000] =	vst v1  }
0x24: {  	v1 =	vld [tilespmem:s15+$0x4000];
	_ =	sdelay $0x4  }
0x25: {  	[tilespmem:s16+$0x10080] =	vst v1  }
0x26: {  	v1 =	vld [tilespmem:s15+$0x8000];
	_ =	sdelay $0x4  }
0x27: {  	[tilespmem:s16+$0x10100] =	vst v1  }
0x28: {  	v1 =	vld [tilespmem:s15+$0xC000];
	_ =	sdelay $0x4  }
0x29: {  	[tilespmem:s16+$0x10180] =	vst v1  }
0x2a: {  	v1 =	vld [tilespmem:s15+$0x10];
	_ =	sdelay $0x4  }
0x2b: {  	v1 =	vadd.s32 $0xFFFFFFFF, v1  }
0x2c: {  	vm9 =	vlt.u32 v1, $0x15  }
0x2d: {  	v1 =	vsel vm9, $0x3F800000, v0  }
0x2e: {  	[tilespmem:s16+$0x10010] =	vst v1  }
0x2f: {  	v1 =	vld [tilespmem:s15+$0x4010];
	_ =	sdelay $0x4  }
0x30: {  	[tilespmem:s16+$0x10090] =	vst v1  }
0x31: {  	v1 =	vld [tilespmem:s15+$0x8010];
	_ =	sdelay $0x4  }
0x32: {  	[tilespmem:s16+$0x10110] =	vst v1  }
0x33: {  	v1 =	vld [tilespmem:s15+$0xC010];
	_ =	sdelay $0x4  }
0x34: {  	[tilespmem:s16+$0x10190] =	vst v1  }
0x35: {  	v1 =	vld [tilespmem:s15+$0x20];
	_ =	sdelay $0x4  }
0x36: {  	v1 =	vadd.s32 $0xFFFFFFFF, v1  }
0x37: {  	vm10 =	vlt.u32 v1, $0x15  }
0x38: {  	v1 =	vsel vm10, $0x3F800000, v0  }
0x39: {  	[tilespmem:s16+$0x10020] =	vst v1  }
0x3a: {  	v1 =	vld [tilespmem:s15+$0x4020];
	_ =	sdelay $0x4  }
0x3b: {  	[tilespmem:s16+$0x100A0] =	vst v1  }
0x3c: {  	v1 =	vld [tilespmem:s15+$0x8020];
	_ =	sdelay $0x4  }
0x3d: {  	[tilespmem:s16+$0x10120] =	vst v1  }
0x3e: {  	v1 =	vld [tilespmem:s15+$0xC020];
	_ =	sdelay $0x4  }
0x3f: {  	[tilespmem:s16+$0x101A0] =	vst v1  }
0x40: {  	v1 =	vld [tilespmem:s15+$0x30];
	_ =	sdelay $0x4  }
0x41: {  	v1 =	vadd.s32 $0xFFFFFFFF, v1  }
0x42: {  	vm11 =	vlt.u32 v1, $0x15  }
0x43: {  	v1 =	vsel vm11, $0x3F800000, v0  }
0x44: {  	[tilespmem:s16+$0x10030] =	vst v1  }
0x45: {  	v1 =	vld [tilespmem:s15+$0x4030];
	_ =	sdelay $0x4  }
0x46: {  	[tilespmem:s16+$0x100B0] =	vst v1  }
0x47: {  	v1 =	vld [tilespmem:s15+$0x8030];
	_ =	sdelay $0x4  }
0x48: {  	[tilespmem:s16+$0x10130] =	vst v1  }
0x49: {  	v1 =	vld [tilespmem:s15+$0xC030];
	_ =	sdelay $0x4  }
0x4a: {  	[tilespmem:s16+$0x101B0] =	vst v1  }
0x4b: {  	v1 =	vld [tilespmem:s15+$0x40];
	_ =	sdelay $0x4  }
0x4c: {  	v1 =	vadd.s32 $0xFFFFFFFF, v1  }
0x4d: {  	vm12 =	vlt.u32 v1, $0x15  }
0x4e: {  	v1 =	vsel vm12, $0x3F800000, v0  }
0x4f: {  	[tilespmem:s16+$0x10040] =	vst v1  }
0x50: {  	v1 =	vld [tilespmem:s15+$0x4040];
	_ =	sdelay $0x4  }
0x51: {  	[tilespmem:s16+$0x100C0] =	vst v1  }
0x52: {  	v1 =	vld [tilespmem:s15+$0x8040];
	_ =	sdelay $0x4  }
0x53: {  	[tilespmem:s16+$0x10140] =	vst v1  }
0x54: {  	v1 =	vld [tilespmem:s15+$0xC040];
	_ =	sdelay $0x4  }
0x55: {  	[tilespmem:s16+$0x101C0] =	vst v1  }
0x56: {  	v1 =	vld [tilespmem:s15+$0x50];
	_ =	sdelay $0x4  }
0x57: {  	v1 =	vadd.s32 $0xFFFFFFFF, v1  }
0x58: {  	vm13 =	vlt.u32 v1, $0x15  }
0x59: {  	v1 =	vsel vm13, $0x3F800000, v0  }
0x5a: {  	[tilespmem:s16+$0x10050] =	vst v1  }
0x5b: {  	v1 =	vld [tilespmem:s15+$0x4050];
	_ =	sdelay $0x4  }
0x5c: {  	[tilespmem:s16+$0x100D0] =	vst v1  }
0x5d: {  	v1 =	vld [tilespmem:s15+$0x8050];
	_ =	sdelay $0x4  }
0x5e: {  	[tilespmem:s16+$0x10150] =	vst v1  }
0x5f: {  	v1 =	vld [tilespmem:s15+$0xC050];
	_ =	sdelay $0x4  }
0x60: {  	[tilespmem:s16+$0x101D0] =	vst v1  }
0x61: {  	v1 =	vld [tilespmem:s15+$0x60];
	_ =	sdelay $0x4  }
0x62: {  	v1 =	vadd.s32 $0xFFFFFFFF, v1  }
0x63: {  	vm14 =	vlt.u32 v1, $0x15  }
0x64: {  	v1 =	vsel vm14, $0x3F800000, v0  }
0x65: {  	[tilespmem:s16+$0x10060] =	vst v1  }
0x66: {  	v1 =	vld [tilespmem:s15+$0x4060];
	_ =	sdelay $0x4  }
0x67: {  	[tilespmem:s16+$0x100E0] =	vst v1  }
0x68: {  	v1 =	vld [tilespmem:s15+$0x8060];
	_ =	sdelay $0x4  }
0x69: {  	[tilespmem:s16+$0x10160] =	vst v1  }
0x6a: {  	v1 =	vld [tilespmem:s15+$0xC060];
	_ =	sdelay $0x4  }
0x6b: {  	[tilespmem:s16+$0x101E0] =	vst v1  }
0x6c: {  	v1 =	vld [tilespmem:s15+$0x70];
	_ =	sdelay $0x4  }
0x6d: {  	v1 =	vadd.s32 $0xFFFFFFFF, v1  }
0x6e: {  	vm15 =	vlt.u32 v1, $0x15  }
0x6f: {  	v1 =	vsel vm15, $0x3F800000, v0  }
0x70: {  	[tilespmem:s16+$0x10070] =	vst v1  }
0x71: {  	v1 =	vld [tilespmem:s15+$0x4070];
	_ =	sdelay $0x4  }
0x72: {  	[tilespmem:s16+$0x100F0] =	vst v1  }
0x73: {  	v1 =	vld [tilespmem:s15+$0x8070];
	_ =	sdelay $0x4  }
0x74: {  	[tilespmem:s16+$0x10170] =	vst v1  }
0x75: {  	v1 =	vld [tilespmem:s15+$0xC070];
	_ =	sdelay $0x3  }
0x76: {  	s19 =	simm.s32 $0x200;
	s17 =	simm.s32 $0x0  }
0x77: {  	s18 =	simm.s32 $0x400;
	s15 =	simm.s32 $0x80;
	[tilespmem:s16+$0x101F0] =	vst v1;
	s16 =	simm.s32 $0x0  }
.LBB2_2:
0x78: {  	p0 =	sne.s32 s18, $0xFE00;
	v1 =	vld [tilespmem:s15+$0x0];
	_ =	sdelay $0x3  }
0x79: {  	s17 =	sadd.s32 $0x1000, s17  }
0x7a: {  	s19 =	sand.u32 $0x8000, s19;
	s16 =	sadd.s32 $0x40, s16;
	s20 =	sand.u32 $0x7000, s17;
	v1 =	vadd.s32 $0xFFFFFFFF, v1  }
0x7b: {  	s21 =	sand.u32 $0xE00, s16;
	s20 =	sor.u32 s20, s19;
	s19 =	smov.u32 s18;
	vm0 =	vlt.u32 v1, $0x15  }
0x7c: {  	s20 =	sor.u32 s21, s20;
	v1 =	vsel vm0, $0x3F800000, v0  }
0x7d: {  	[tilespmem:s20+$0x10000] =	vst v1  }
0x7e: {  	v1 =	vld [tilespmem:s15+$0x4000];
	_ =	sdelay $0x4  }
0x7f: {  	[tilespmem:s20+$0x10080] =	vst v1  }
0x80: {  	v1 =	vld [tilespmem:s15+$0x8000];
	_ =	sdelay $0x4  }
0x81: {  	[tilespmem:s20+$0x10100] =	vst v1  }
0x82: {  	v1 =	vld [tilespmem:s15+$0xC000];
	_ =	sdelay $0x4  }
0x83: {  	[tilespmem:s20+$0x10180] =	vst v1  }
0x84: {  	v1 =	vld [tilespmem:s15+$0x10];
	_ =	sdelay $0x4  }
0x85: {  	v1 =	vadd.s32 $0xFFFFFFFF, v1  }
0x86: {  	vm0 =	vlt.u32 v1, $0x15  }
0x87: {  	v1 =	vsel vm0, $0x3F800000, v0  }
0x88: {  	[tilespmem:s20+$0x10010] =	vst v1  }
0x89: {  	v1 =	vld [tilespmem:s15+$0x4010];
	_ =	sdelay $0x4  }
0x8a: {  	[tilespmem:s20+$0x10090] =	vst v1  }
0x8b: {  	v1 =	vld [tilespmem:s15+$0x8010];
	_ =	sdelay $0x4  }
0x8c: {  	[tilespmem:s20+$0x10110] =	vst v1  }
0x8d: {  	v1 =	vld [tilespmem:s15+$0xC010];
	_ =	sdelay $0x4  }
0x8e: {  	[tilespmem:s20+$0x10190] =	vst v1  }
0x8f: {  	v1 =	vld [tilespmem:s15+$0x20];
	_ =	sdelay $0x4  }
0x90: {  	v1 =	vadd.s32 $0xFFFFFFFF, v1  }
0x91: {  	vm0 =	vlt.u32 v1, $0x15  }
0x92: {  	v1 =	vsel vm0, $0x3F800000, v0  }
0x93: {  	[tilespmem:s20+$0x10020] =	vst v1  }
0x94: {  	v1 =	vld [tilespmem:s15+$0x4020];
	_ =	sdelay $0x4  }
0x95: {  	[tilespmem:s20+$0x100A0] =	vst v1  }
0x96: {  	v1 =	vld [tilespmem:s15+$0x8020];
	_ =	sdelay $0x4  }
0x97: {  	[tilespmem:s20+$0x10120] =	vst v1  }
0x98: {  	v1 =	vld [tilespmem:s15+$0xC020];
	_ =	sdelay $0x4  }
0x99: {  	[tilespmem:s20+$0x101A0] =	vst v1  }
0x9a: {  	v1 =	vld [tilespmem:s15+$0x30];
	_ =	sdelay $0x4  }
0x9b: {  	v1 =	vadd.s32 $0xFFFFFFFF, v1  }
0x9c: {  	vm0 =	vlt.u32 v1, $0x15  }
0x9d: {  	v1 =	vsel vm0, $0x3F800000, v0  }
0x9e: {  	[tilespmem:s20+$0x10030] =	vst v1  }
0x9f: {  	v1 =	vld [tilespmem:s15+$0x4030];
	_ =	sdelay $0x4  }
0xa0: {  	[tilespmem:s20+$0x100B0] =	vst v1  }
0xa1: {  	v1 =	vld [tilespmem:s15+$0x8030];
	_ =	sdelay $0x4  }
0xa2: {  	[tilespmem:s20+$0x10130] =	vst v1  }
0xa3: {  	v1 =	vld [tilespmem:s15+$0xC030];
	_ =	sdelay $0x4  }
0xa4: {  	[tilespmem:s20+$0x101B0] =	vst v1  }
0xa5: {  	v1 =	vld [tilespmem:s15+$0x40];
	_ =	sdelay $0x4  }
0xa6: {  	v1 =	vadd.s32 $0xFFFFFFFF, v1  }
0xa7: {  	vm0 =	vlt.u32 v1, $0x15  }
0xa8: {  	v1 =	vsel vm0, $0x3F800000, v0  }
0xa9: {  	[tilespmem:s20+$0x10040] =	vst v1  }
0xaa: {  	v1 =	vld [tilespmem:s15+$0x4040];
	_ =	sdelay $0x4  }
0xab: {  	[tilespmem:s20+$0x100C0] =	vst v1  }
0xac: {  	v1 =	vld [tilespmem:s15+$0x8040];
	_ =	sdelay $0x4  }
0xad: {  	[tilespmem:s20+$0x10140] =	vst v1  }
0xae: {  	v1 =	vld [tilespmem:s15+$0xC040];
	_ =	sdelay $0x4  }
0xaf: {  	[tilespmem:s20+$0x101C0] =	vst v1  }
0xb0: {  	v1 =	vld [tilespmem:s15+$0x50];
	_ =	sdelay $0x4  }
0xb1: {  	v1 =	vadd.s32 $0xFFFFFFFF, v1  }
0xb2: {  	vm0 =	vlt.u32 v1, $0x15  }
0xb3: {  	v1 =	vsel vm0, $0x3F800000, v0  }
0xb4: {  	[tilespmem:s20+$0x10050] =	vst v1  }
0xb5: {  	v1 =	vld [tilespmem:s15+$0x4050];
	_ =	sdelay $0x4  }
0xb6: {  	[tilespmem:s20+$0x100D0] =	vst v1  }
0xb7: {  	v1 =	vld [tilespmem:s15+$0x8050];
	_ =	sdelay $0x4  }
0xb8: {  	[tilespmem:s20+$0x10150] =	vst v1  }
0xb9: {  	v1 =	vld [tilespmem:s15+$0xC050];
	_ =	sdelay $0x4  }
0xba: {  	[tilespmem:s20+$0x101D0] =	vst v1  }
0xbb: {  	v1 =	vld [tilespmem:s15+$0x60];
	_ =	sdelay $0x4  }
0xbc: {  	v1 =	vadd.s32 $0xFFFFFFFF, v1  }
0xbd: {  	vm0 =	vlt.u32 v1, $0x15  }
0xbe: {  	v1 =	vsel vm0, $0x3F800000, v0  }
0xbf: {  	[tilespmem:s20+$0x10060] =	vst v1  }
0xc0: {  	v1 =	vld [tilespmem:s15+$0x4060];
	_ =	sdelay $0x4  }
0xc1: {  	[tilespmem:s20+$0x100E0] =	vst v1  }
0xc2: {  	v1 =	vld [tilespmem:s15+$0x8060];
	_ =	sdelay $0x4  }
0xc3: {  	[tilespmem:s20+$0x10160] =	vst v1  }
0xc4: {  	v1 =	vld [tilespmem:s15+$0xC060];
	_ =	sdelay $0x4  }
0xc5: {  	[tilespmem:s20+$0x101E0] =	vst v1  }
0xc6: {  	v1 =	vld [tilespmem:s15+$0x70];
	_ =	sdelay $0x4  }
0xc7: {  	v1 =	vadd.s32 $0xFFFFFFFF, v1  }
0xc8: {  	vm0 =	vlt.u32 v1, $0x15  }
0xc9: {  	v1 =	vsel vm0, $0x3F800000, v0  }
0xca: {  	[tilespmem:s20+$0x10070] =	vst v1  }
0xcb: {  	v1 =	vld [tilespmem:s15+$0x4070];
	_ =	sdelay $0x4  }
0xcc: {  	[tilespmem:s20+$0x100F0] =	vst v1  }
0xcd: {  	v1 =	vld [tilespmem:s15+$0x8070];
	_ =	sdelay $0x4  }
0xce: {  	[tilespmem:s20+$0x10170] =	vst v1  }
0xcf: {  	v1 =	vld [tilespmem:s15+$0xC070]  }
.Ltmp0:
0xd0: {  	(pc) =	sbr.rel @p0 .LBB2_2-.Ltmp0, $2  }
0xd1: {  	_ =	sdelay $0x2  }
0xd2: {  	s18 =	sadd.s32 $0x200, s18;
	s15 =	sshra.s32 s19, $0x2;
	[tilespmem:s20+$0x101F0] =	vst v1  }
0xd3: {  	v1 =	vld [tilespmem:s15+$0x0];
	_ =	sdelay $0x3  }
0xd4: {  	s17 =	sadd.s32 $0x1000, s17  }
0xd5: {  	s18 =	sand.u32 $0x8000, s19;
	s16 =	sadd.s32 $0x40, s16;
	s17 =	sand.u32 $0x7000, s17;
	v1 =	vadd.s32 $0xFFFFFFFF, v1  }
0xd6: {  	s16 =	sand.u32 $0xE00, s16;
	s17 =	sor.u32 s17, s18;
	vm0 =	vlt.u32 v1, $0x15  }
0xd7: {  	s16 =	sor.u32 s16, s17;
	v1 =	vsel vm0, $0x3F800000, v0  }
0xd8: {  	[tilespmem:s16+$0x10000] =	vst v1  }
0xd9: {  	v1 =	vld [tilespmem:s15+$0x4000];
	_ =	sdelay $0x4  }
0xda: {  	[tilespmem:s16+$0x10080] =	vst v1  }
0xdb: {  	v1 =	vld [tilespmem:s15+$0x8000];
	_ =	sdelay $0x4  }
0xdc: {  	[tilespmem:s16+$0x10100] =	vst v1  }
0xdd: {  	v1 =	vld [tilespmem:s15+$0xC000];
	_ =	sdelay $0x4  }
0xde: {  	[tilespmem:s16+$0x10180] =	vst v1  }
0xdf: {  	v1 =	vld [tilespmem:s15+$0x10];
	_ =	sdelay $0x4  }
0xe0: {  	v1 =	vadd.s32 $0xFFFFFFFF, v1  }
0xe1: {  	vm9 =	vlt.u32 v1, $0x15  }
0xe2: {  	v1 =	vsel vm9, $0x3F800000, v0  }
0xe3: {  	[tilespmem:s16+$0x10010] =	vst v1  }
0xe4: {  	v1 =	vld [tilespmem:s15+$0x4010];
	_ =	sdelay $0x4  }
0xe5: {  	[tilespmem:s16+$0x10090] =	vst v1  }
0xe6: {  	v1 =	vld [tilespmem:s15+$0x8010];
	_ =	sdelay $0x4  }
0xe7: {  	[tilespmem:s16+$0x10110] =	vst v1  }
0xe8: {  	v1 =	vld [tilespmem:s15+$0xC010];
	_ =	sdelay $0x4  }
0xe9: {  	[tilespmem:s16+$0x10190] =	vst v1  }
0xea: {  	v1 =	vld [tilespmem:s15+$0x20];
	_ =	sdelay $0x4  }
0xeb: {  	v1 =	vadd.s32 $0xFFFFFFFF, v1  }
0xec: {  	vm10 =	vlt.u32 v1, $0x15  }
0xed: {  	v1 =	vsel vm10, $0x3F800000, v0  }
0xee: {  	[tilespmem:s16+$0x10020] =	vst v1  }
0xef: {  	v1 =	vld [tilespmem:s15+$0x4020];
	_ =	sdelay $0x4  }
0xf0: {  	[tilespmem:s16+$0x100A0] =	vst v1  }
0xf1: {  	v1 =	vld [tilespmem:s15+$0x8020];
	_ =	sdelay $0x4  }
0xf2: {  	[tilespmem:s16+$0x10120] =	vst v1  }
0xf3: {  	v1 =	vld [tilespmem:s15+$0xC020];
	_ =	sdelay $0x4  }
0xf4: {  	[tilespmem:s16+$0x101A0] =	vst v1  }
0xf5: {  	v1 =	vld [tilespmem:s15+$0x30];
	_ =	sdelay $0x4  }
0xf6: {  	v1 =	vadd.s32 $0xFFFFFFFF, v1  }
0xf7: {  	vm11 =	vlt.u32 v1, $0x15  }
0xf8: {  	v1 =	vsel vm11, $0x3F800000, v0  }
0xf9: {  	[tilespmem:s16+$0x10030] =	vst v1  }
0xfa: {  	v1 =	vld [tilespmem:s15+$0x4030];
	_ =	sdelay $0x4  }
0xfb: {  	[tilespmem:s16+$0x100B0] =	vst v1  }
0xfc: {  	v1 =	vld [tilespmem:s15+$0x8030];
	_ =	sdelay $0x4  }
0xfd: {  	[tilespmem:s16+$0x10130] =	vst v1  }
0xfe: {  	v1 =	vld [tilespmem:s15+$0xC030];
	_ =	sdelay $0x4  }
0xff: {  	[tilespmem:s16+$0x101B0] =	vst v1  }
0x100: {  	v1 =	vld [tilespmem:s15+$0x40];
	_ =	sdelay $0x4  }
0x101: {  	v1 =	vadd.s32 $0xFFFFFFFF, v1  }
0x102: {  	vm12 =	vlt.u32 v1, $0x15  }
0x103: {  	v1 =	vsel vm12, $0x3F800000, v0  }
0x104: {  	[tilespmem:s16+$0x10040] =	vst v1  }
0x105: {  	v1 =	vld [tilespmem:s15+$0x4040];
	_ =	sdelay $0x4  }
0x106: {  	[tilespmem:s16+$0x100C0] =	vst v1  }
0x107: {  	v1 =	vld [tilespmem:s15+$0x8040];
	_ =	sdelay $0x4  }
0x108: {  	[tilespmem:s16+$0x10140] =	vst v1  }
0x109: {  	v1 =	vld [tilespmem:s15+$0xC040];
	_ =	sdelay $0x4  }
0x10a: {  	[tilespmem:s16+$0x101C0] =	vst v1  }
0x10b: {  	v1 =	vld [tilespmem:s15+$0x50];
	_ =	sdelay $0x4  }
0x10c: {  	v1 =	vadd.s32 $0xFFFFFFFF, v1  }
0x10d: {  	vm13 =	vlt.u32 v1, $0x15  }
0x10e: {  	v1 =	vsel vm13, $0x3F800000, v0  }
0x10f: {  	[tilespmem:s16+$0x10050] =	vst v1  }
0x110: {  	v1 =	vld [tilespmem:s15+$0x4050];
	_ =	sdelay $0x4  }
0x111: {  	[tilespmem:s16+$0x100D0] =	vst v1  }
0x112: {  	v1 =	vld [tilespmem:s15+$0x8050];
	_ =	sdelay $0x4  }
0x113: {  	[tilespmem:s16+$0x10150] =	vst v1  }
0x114: {  	v1 =	vld [tilespmem:s15+$0xC050];
	_ =	sdelay $0x4  }
0x115: {  	[tilespmem:s16+$0x101D0] =	vst v1  }
0x116: {  	v1 =	vld [tilespmem:s15+$0x60];
	_ =	sdelay $0x4  }
0x117: {  	v1 =	vadd.s32 $0xFFFFFFFF, v1  }
0x118: {  	vm14 =	vlt.u32 v1, $0x15  }
0x119: {  	v1 =	vsel vm14, $0x3F800000, v0  }
0x11a: {  	[tilespmem:s16+$0x10060] =	vst v1  }
0x11b: {  	v1 =	vld [tilespmem:s15+$0x4060];
	_ =	sdelay $0x4  }
0x11c: {  	[tilespmem:s16+$0x100E0] =	vst v1  }
0x11d: {  	v1 =	vld [tilespmem:s15+$0x8060];
	_ =	sdelay $0x4  }
0x11e: {  	[tilespmem:s16+$0x10160] =	vst v1  }
0x11f: {  	v1 =	vld [tilespmem:s15+$0xC060];
	_ =	sdelay $0x4  }
0x120: {  	[tilespmem:s16+$0x101E0] =	vst v1  }
0x121: {  	v1 =	vld [tilespmem:s15+$0x70];
	_ =	sdelay $0x4  }
0x122: {  	v1 =	vadd.s32 $0xFFFFFFFF, v1  }
0x123: {  	vm15 =	vlt.u32 v1, $0x15  }
0x124: {  	v1 =	vsel vm15, $0x3F800000, v0  }
0x125: {  	[tilespmem:s16+$0x10070] =	vst v1  }
0x126: {  	v1 =	vld [tilespmem:s15+$0x4070];
	_ =	sdelay $0x4  }
0x127: {  	[tilespmem:s16+$0x100F0] =	vst v1  }
0x128: {  	v1 =	vld [tilespmem:s15+$0x8070];
	_ =	sdelay $0x4  }
0x129: {  	[tilespmem:s16+$0x10170] =	vst v1  }
0x12a: {  	v1 =	vld [tilespmem:s15+$0xC070];
	_ =	sdelay $0x2  }
0x12b: {  	s14 =	sadd.s32 $0x1, s14  }
0x12c: {  	p0 =	sne.s32 s14, s8  }
.Ltmp1:
0x12d: {  	[tilespmem:s16+$0x101F0] =	vst v1;
	(pc) =	sbr.rel @p0 .LBB2_1-.Ltmp1, $4  }
0x12e: {  	[hbm4b:s7+s2] =	stream.linear.scatter [tilespmem:s13], [sflag:$0x1], $0x10000, $0x38;
	v63 =	vld [tilespmem:$0x0]  }
0x12f: {  	_ =	swait.ge [sflag:s9], $0x10000  }
0x130: {  	[sflag:s9] =	ssyncset.done $0x0  }
0x131: {  	[sflag:s9] =	ssyncadd.s32 $0xFFFF0000  }
0x132: {  	_ =	sfence.sel $0x180000  }
0x133: {  	[bflag:$0x0] =	sbarrier.arrive $0xFFFF  }
0x134: {  	p0 =	sne.s32 s1, $0x0;
	_ =	strace $0x90000047  }
0x135: {  	s0 =	sadd.s32 @!p0 $0x100000, s0;
	[bflag:$0x2] =	sbarrier.arrive $0xFFFF  }
0x136: {  	[sflag:s0] =	ssyncadd.tile.s32 @!p0 $0x1;
	_ =	shalt  }
.Lfunc_end2:
_tile_overlayer_lowered:
.L_overlay_start_2:
0x137: {  	(tag) =	ssettag $0x2  }
0x138: {  	s0 =	rddreg [dreg:$0x0];
	s2 =	stileid.u32  }
0x139: {  	s1 =	rddreg [dreg:$0x1];
	p0 =	sne.s32 s2, $0x0  }
0x13a: {  	s3 =	rddreg [dreg:$0x2];
	[bflag:$0x3] =	sbarrier.arrive $0xFFFF;
	s2 =	simm.s32 @!p0 $0x1C01  }
0x13b: {  	[timem:s3], [sflag:s2] =	dma.local @!p0 [hbm:s0], s1  }
0x13c: {  	s0 =	simm.s32 @!p0 $0x1  }
0x13d: {  	_ =	swait.ge @!p0 [sflag:s0], s1  }
0x13e: {  	s1 =	ssub.s32 @!p0 $0x0, s1;
	[sflag:s0] =	ssyncset.done @!p0 $0x0  }
0x13f: {  	[sflag:s0] =	ssyncadd.s32 @!p0 s1  }
0x140: {  	[bflag:$0x3] =	sbarrier.arrive $0xFFFF  }
0x141: {  	_ =	shalt  }

</sc_bundles>
